<compile_context>
chip_gen: v7x
topology: tpu7x:2x2x1
jax: 0.10.2.dev20260603
libtpu: 0.0.44.dev20260713+nightly
codegen_flags: <defaults>
</compile_context>

<pallas_src>
import functools

import jax
import jax.numpy as jnp
from jax import lax
from jax.experimental import pallas as pl
from jax.experimental.pallas import tpu as pltpu
from jax.experimental.pallas import tpu_sc as plsc

_BATCH = 1024
_SEQ = 200
_N = _BATCH * _SEQ
_NC = 2
_NS = 16
_NW = _NC * _NS
_PER_W = _N // _NW
_CHUNK = 128
_NCHUNK = _PER_W // _CHUNK
_HVEC = _PER_W // 16
_EDIM = 64
_PDIM = 128
_MDIM = 512
_MULT_A = 36313
_MULT_B = 27191
_MOD = 999999


def _hash_body(tok_hbm, idx_hbm, tok_v, idx_v):
    wid = lax.axis_index("s") * _NC + lax.axis_index("c")
    nrow = _N // _PDIM // _NW

    def tok_row(r, _):
        pltpu.sync_copy(tok_hbm.at[wid * nrow + r],
                        tok_v.at[pl.ds(8 + r * _PDIM, _PDIM)])
        return 0

    lax.fori_loop(0, nrow, tok_row, 0)

    def hash_step(k, _):
        cur = tok_v[pl.ds(8 + k * 16, 16)]
        prev = tok_v[pl.ds(7 + k * 16, 16)]
        h = (_MULT_A * cur ^ _MULT_B * prev) % _MOD
        pos = k * 16 + lax.iota(jnp.int32, 16)
        idx_v[pl.ds(k * 16, 16)] = jnp.where(pos % _SEQ == 0, _MOD, h)
        return 0

    lax.fori_loop(0, nrow * _PDIM // 16, hash_step, 0)

    def idx_row(r, _):
        pltpu.sync_copy(idx_v.at[pl.ds(r * _PDIM, _PDIM)],
                        idx_hbm.at[wid * nrow + r])
        return 0

    lax.fori_loop(0, nrow, idx_row, 0)


_GC = 128


def _gather_body(nchunk, idx_hbm, table_hbm, out_hbm, idx_v, rows_v, sem):
    wid = lax.axis_index("s") * _NC + lax.axis_index("c")

    def gather_step(ci, _):
        c = ci * _NW + wid
        pltpu.sync_copy(idx_hbm.at[c], idx_v)
        pltpu.async_copy(table_hbm.at[idx_v], rows_v, sem).wait()
        pltpu.sync_copy(
            rows_v,
            out_hbm.at[pl.ds(c * _GC, _GC), pl.ds(0, _EDIM)])
        return 0

    lax.fori_loop(0, nchunk, gather_step, 0)


_MESHA = dict(core_axis_name="c", subcore_axis_name="s", num_cores=_NC,
              num_subcores=_NS)


def _make_sc_hash():
    return pl.kernel(
        _hash_body,
        out_type=jax.ShapeDtypeStruct((_N // _PDIM, _PDIM), jnp.int32),
        mesh=plsc.VectorSubcoreMesh(**_MESHA),
        scratch_types=[
            pltpu.VMEM((_PER_W + 8,), jnp.int32),
            pltpu.VMEM((_PER_W,), jnp.int32),
        ],
        compiler_params=pltpu.CompilerParams(use_tc_tiling_on_sc=False),
    )


def _make_sc_gather(nrows):
    nchunk = nrows // (_NW * _GC)
    assert nrows % (_NW * _GC) == 0
    return pl.kernel(
        functools.partial(_gather_body, nchunk),
        out_type=jax.ShapeDtypeStruct((nrows, _PDIM), jnp.float32),
        mesh=plsc.VectorSubcoreMesh(**_MESHA),
        scratch_types=[
            pltpu.VMEM((_GC,), jnp.int32),
            pltpu.VMEM((_GC, _EDIM), jnp.float32),
            pltpu.SemaphoreType.DMA,
        ],
        compiler_params=pltpu.CompilerParams(use_tc_tiling_on_sc=False),
    )


_RB = 6400


def _mm_body(h_ref, w_ref, o_ref):
    o_ref[...] = jnp.dot(h_ref[:, :_EDIM], w_ref[...],
                         preferred_element_type=jnp.float32)


def _mm_body_acc(h_ref, w_ref, acc_ref, o_ref):
    del acc_ref
    o_ref[...] = jnp.dot(h_ref[:, :_EDIM], w_ref[...],
                         preferred_element_type=jnp.float32)


def _tc_project_part(h, w, acc, part):
    assert h.shape[0] % _RB == 0
    n = h.shape[0]
    off = part * (n // _RB)
    specs = [
        pl.BlockSpec((_RB, _PDIM), lambda i: (i, 0)),
        pl.BlockSpec((_EDIM, _MDIM), lambda i: (0, 0)),
    ]
    args = [h, w]
    body = _mm_body
    aliases = {}
    if part:
        specs.append(pl.BlockSpec(memory_space=pl.MemorySpace.ANY))
        args.append(acc)
        body = _mm_body_acc
        aliases = {2: 0}
    return pl.pallas_call(
        body,
        grid=(n // _RB,),
        in_specs=specs,
        out_specs=pl.BlockSpec((_RB, _MDIM), lambda i: (off + i, 0)),
        out_shape=jax.ShapeDtypeStruct((_N, _MDIM), jnp.float32),
        input_output_aliases=aliases,
    )(*args)


_K = 2


@jax.jit
def _pipeline(token_ids, embed_weight, proj_weight, scale):
    ii = jnp.arange(_N, dtype=jnp.int32).reshape(_N // _PDIM, _PDIM)
    tok128 = token_ids[ii // _SEQ, ii % _SEQ]
    w = (proj_weight * scale).T
    idx = _make_sc_hash()(tok128)
    nrows = _N // _K
    sc = _make_sc_gather(nrows)
    trows = nrows // _PDIM
    gs = [sc(lax.slice_in_dim(idx, k * trows, (k + 1) * trows),
             embed_weight) for k in range(_K)]
    acc = None
    for k in range(_K):
        acc = _tc_project_part(gs[k], w, acc, k)
    return acc.reshape(_BATCH, _SEQ, _MDIM)


def kernel(token_ids, embed_weight, proj_weight, scale):
    return _pipeline(token_ids, embed_weight, proj_weight, scale)

# --- scband reference (transcript-rebuilt; emitter-appended) ---
"""Pipeline reference for scband-bigram-hash-embedding-51745765982841 (READ-ONLY COPY).

The authoritative reference and input builder live on the scoring server;
editing this copy changes nothing except your own understanding.
"""

import jax, jax.numpy as jnp
import numpy as np

BIGRAM_VOCAB = 1000000
BIGRAM_DIM = 64
MODEL_DIM = 512
BATCH = 1024
SEQ = 200
TOKEN_VOCAB = 50257


def bigram_hash(tokens, bigram_vocab_size):
    t = tokens.astype(jnp.int32)
    mod = bigram_vocab_size - 1
    h = jnp.bitwise_xor(36313 * t[..., 1:], 27191 * t[..., :-1]) % mod
    first = jnp.full(t.shape[:-1] + (1,), mod, dtype=jnp.int32)
    return jnp.concatenate([first, h], axis=-1)


def setup_inputs(seed: int = 0) -> dict:
    key = jax.random.key(seed)
    k1, k2, k3 = jax.random.split(key, 3)
    token_ids = jax.random.randint(k1, (BATCH, SEQ), 0, TOKEN_VOCAB, dtype=jnp.int32)
    embed_weight = jax.random.normal(k2, (BIGRAM_VOCAB, BIGRAM_DIM), dtype=jnp.float32) * 0.02
    proj_weight = jax.random.normal(k3, (MODEL_DIM, BIGRAM_DIM), dtype=jnp.float32) * 0.02
    scale = jnp.asarray(0.05, dtype=jnp.float32)
    return {"token_ids": token_ids, "embed_weight": embed_weight, "proj_weight": proj_weight, "scale": scale}


def reference(token_ids, embed_weight, proj_weight, scale):
    idx = bigram_hash(token_ids, embed_weight.shape[0])
    h = jnp.take(embed_weight, idx, axis=0)
    h = h @ proj_weight.T  # F.linear, bias=None (eval path of CastedLinear)
    return h * scale

if __name__ == "__main__":
    import jax
    _d = setup_inputs()
    print(jax.jit(kernel)(*tuple(_d.values())))

</pallas_src>

<mosaic_0001>
#map = affine_map<(d0, d1) -> (0, 0)>
module attributes {stable_mosaic.version = 14 : i64} {
  func.func @_hash_body(%arg0: i32, %arg1: i32, %arg2: memref<1600x128xi32, #tpu.memory_space<hbm>>, %arg3: memref<1600x128xi32, #tpu.memory_space<hbm>>, %arg4: memref<6408xi32, #tpu.memory_space<vmem>>, %arg5: memref<6400xi32, #tpu.memory_space<vmem>>) attributes {dimension_semantics = [#tpu.dimension_semantics<core_parallel>, #tpu.dimension_semantics<subcore_parallel>], iteration_bounds = array<i64: 2, 16>, scalar_prefetch = 0 : i64, scratch_operands = 2 : i64, tpu.core_type = #tpu.core_type<sc_vector_subcore>, window_params = [{transform_indices = #map}, {transform_indices = #map}]} {
    %mul3A = arith.constant 2 : i32
    %mul3A_0 = arith.muli %arg1, %mul3A : i32
    %add3A = arith.addi %mul3A_0, %arg0 : i32
    %scan3A = arith.constant 0 : i32
    %scan3A_1 = arith.constant 0 : i32
    %scan3A_2 = arith.constant 50 : i32
    %scan3A_3 = arith.addi %scan3A_1, %scan3A_2 : i32
    %scan3A_4 = arith.constant 1 : i32
    %scan3A_5 = scf.for %scan3A_21 = %scan3A_1 to %scan3A_3 step %scan3A_4 iter_args(%scan3A_22 = %scan3A) -> (i32)  : i32 {
      %mul3A_23 = arith.constant 50 : i32
      %mul3A_24 = arith.muli %add3A, %mul3A_23 : i32
      %add3A_25 = arith.addi %mul3A_24, %scan3A_21 : i32
      %mul3A_26 = arith.constant 128 : i32
      %mul3A_27 = arith.muli %scan3A_21, %mul3A_26 : i32
      %add3A_28 = arith.constant 8 : i32
      %add3A_29 = arith.addi %add3A_28, %mul3A_27 : i32
      "tpu.region"() ({
        %run_scoped3A = tpu.sem_alloc : memref<!tpu.dma_semaphore, #tpu.memory_space<semaphore_mem>>
        %dma_start3A = tpu.memref_slice %arg4[%add3A_29] : memref<6408xi32, #tpu.memory_space<vmem>> -> memref<128xi32, #tpu.memory_space<vmem>>
        %dma_start3A_31 = arith.constant 0 : i32
        %dma_start3A_32 = tpu.memref_slice %arg2[%add3A_25, %dma_start3A_31] : memref<1600x128xi32, #tpu.memory_space<hbm>> -> memref<1x128xi32, #tpu.memory_space<hbm>>
        %dma_start3A_33 = tpu.memref_squeeze %dma_start3A_32 : memref<1x128xi32, #tpu.memory_space<hbm>> -> memref<128xi32, #tpu.memory_space<hbm>>
        %dma_start3A_34 = tpu.memref_slice %arg4[%add3A_29] : memref<6408xi32, #tpu.memory_space<vmem>> -> memref<128xi32, #tpu.memory_space<vmem>>
        %dma_start3A_35 = arith.constant 0 : i32
        %dma_start3A_36 = tpu.memref_slice %arg2[%add3A_25, %dma_start3A_35] : memref<1600x128xi32, #tpu.memory_space<hbm>> -> memref<1x128xi32, #tpu.memory_space<hbm>>
        %dma_start3A_37 = tpu.memref_squeeze %dma_start3A_36 : memref<1x128xi32, #tpu.memory_space<hbm>> -> memref<128xi32, #tpu.memory_space<hbm>>
        tpu.enqueue_dma source(%dma_start3A_37 : memref<128xi32, #tpu.memory_space<hbm>>) target(%dma_start3A_34 : memref<128xi32, #tpu.memory_space<vmem>>) target_semaphore(%run_scoped3A : memref<!tpu.dma_semaphore, #tpu.memory_space<semaphore_mem>>)
        %dma_wait3A = tpu.memref_slice %arg4[%add3A_29] : memref<6408xi32, #tpu.memory_space<vmem>> -> memref<128xi32, #tpu.memory_space<vmem>>
        %dma_wait3A_38 = arith.constant 0 : i32
        %dma_wait3A_39 = tpu.memref_slice %arg2[%add3A_25, %dma_wait3A_38] : memref<1600x128xi32, #tpu.memory_space<hbm>> -> memref<1x128xi32, #tpu.memory_space<hbm>>
        %dma_wait3A_40 = tpu.memref_squeeze %dma_wait3A_39 : memref<1x128xi32, #tpu.memory_space<hbm>> -> memref<128xi32, #tpu.memory_space<hbm>>
        %dma_wait3A_41 = tpu.memref_slice %arg4[%add3A_29] : memref<6408xi32, #tpu.memory_space<vmem>> -> memref<128xi32, #tpu.memory_space<vmem>>
        %dma_wait3A_42 = arith.constant 0 : i32
        %dma_wait3A_43 = tpu.memref_slice %arg2[%add3A_25, %dma_wait3A_42] : memref<1600x128xi32, #tpu.memory_space<hbm>> -> memref<1x128xi32, #tpu.memory_space<hbm>>
        %dma_wait3A_44 = tpu.memref_squeeze %dma_wait3A_43 : memref<1x128xi32, #tpu.memory_space<hbm>> -> memref<128xi32, #tpu.memory_space<hbm>>
        tpu.wait_dma2 semaphore(%run_scoped3A : memref<!tpu.dma_semaphore, #tpu.memory_space<semaphore_mem>>) src(%dma_wait3A_44 : memref<128xi32, #tpu.memory_space<hbm>>) dst(%dma_wait3A_41 : memref<128xi32, #tpu.memory_space<vmem>>)
        tpu.yield
      }) : () -> ()
      %scan3A_30 = arith.constant 0 : i32
      scf.yield %scan3A_30 : i32
    }
    %scan3A_6 = arith.constant 50 : i32
    %scan3A_7 = arith.constant 0 : i32
    %scan3A_8 = arith.constant 0 : i32
    %scan3A_9 = arith.constant 400 : i32
    %scan3A_10 = arith.addi %scan3A_8, %scan3A_9 : i32
    %scan3A_11 = arith.constant 1 : i32
    %scan3A_12 = scf.for %scan3A_21 = %scan3A_8 to %scan3A_10 step %scan3A_11 iter_args(%scan3A_22 = %scan3A_7) -> (i32)  : i32 {
      %mul3A_23 = arith.constant 16 : i32
      %mul3A_24 = arith.muli %scan3A_21, %mul3A_23 : i32
      %add3A_25 = arith.constant 8 : i32
      %add3A_26 = arith.addi %add3A_25, %mul3A_24 : i32
      %get3A = arith.index_cast %add3A_26 : i32 to index
      %get3A_27 = tpu.vector_load %arg4[%get3A] {strides = array<i32>} : memref<6408xi32, #tpu.memory_space<vmem>>, vector<16xi32>,
      %get3A_28 = vector.shape_cast %get3A_27 : vector<16xi32> to vector<16xi32>
      %mul3A_29 = arith.constant 16 : i32
      %mul3A_30 = arith.muli %scan3A_21, %mul3A_29 : i32
      %add3A_31 = arith.constant 7 : i32
      %add3A_32 = arith.addi %add3A_31, %mul3A_30 : i32
      %get3A_33 = arith.index_cast %add3A_32 : i32 to index
      %get3A_34 = tpu.vector_load %arg4[%get3A_33] {strides = array<i32>} : memref<6408xi32, #tpu.memory_space<vmem>>, vector<16xi32>,
      %get3A_35 = vector.shape_cast %get3A_34 : vector<16xi32> to vector<16xi32>
      %mul3A_36 = arith.constant 36313 : i32
      %mul3A_37 = vector.broadcast %mul3A_36 : i32 to vector<16xi32>
      %mul3A_38 = arith.muli %mul3A_37, %get3A_28 : vector<16xi32>
      %mul3A_39 = arith.constant 27191 : i32
      %mul3A_40 = vector.broadcast %mul3A_39 : i32 to vector<16xi32>
      %mul3A_41 = arith.muli %mul3A_40, %get3A_35 : vector<16xi32>
      %xor3A = arith.xori %mul3A_38, %mul3A_41 : vector<16xi32>
      %jit3A = arith.constant 999999 : i32
      %eq3A = arith.constant 0 : i32
      %eq3A_42 = arith.cmpi eq, %jit3A, %eq3A : i32
      %jit3A_43 = arith.constant 1 : i32
      %select_n3A = arith.select %eq3A_42, %jit3A_43, %jit3A : i32
      %rem3A = vector.broadcast %select_n3A : i32 to vector<16xi32>
      %rem3A_44 = arith.remsi %xor3A, %rem3A : vector<16xi32>
      %ne3A = arith.constant 0 : i32
      %ne3A_45 = vector.broadcast %ne3A : i32 to vector<16xi32>
      %ne3A_46 = arith.cmpi ne, %rem3A_44, %ne3A_45 : vector<16xi32>
      %lt3A = arith.constant 0 : i32
      %lt3A_47 = vector.broadcast %lt3A : i32 to vector<16xi32>
      %lt3A_48 = arith.cmpi slt, %rem3A_44, %lt3A_47 : vector<16xi32>
      %lt3A_49 = arith.constant 0 : i32
      %lt3A_50 = arith.cmpi slt, %select_n3A, %lt3A_49 : i32
      %ne3A_51 = vector.broadcast %lt3A_50 : i1 to vector<16xi1>
      %ne3A_52 = vector.broadcast %ne3A_51 : vector<16xi1> to vector<16xi1>
      %ne3A_53 = arith.xori %lt3A_48, %ne3A_52 : vector<16xi1>
      %and3A = arith.andi %ne3A_53, %ne3A_46 : vector<16xi1>
      %add3A_54 = vector.broadcast %select_n3A : i32 to vector<16xi32>
      %add3A_55 = arith.addi %rem3A_44, %add3A_54 : vector<16xi32>
      %select_n3A_56 = arith.select %and3A, %add3A_55, %rem3A_44 : vector<16xi1>, vector<16xi32>
      %mul3A_57 = arith.constant 16 : i32
      %mul3A_58 = arith.muli %scan3A_21, %mul3A_57 : i32
      %iota3A = tpu.iota {dimensions = array<i32: 0>} : vector<16xi32>
      %add3A_59 = vector.broadcast %mul3A_58 : i32 to vector<16xi32>
      %add3A_60 = arith.addi %add3A_59, %iota3A : vector<16xi32>
      %jit3A_61 = arith.constant 200 : i32
      %eq3A_62 = arith.constant 0 : i32
      %eq3A_63 = arith.cmpi eq, %jit3A_61, %eq3A_62 : i32
      %jit3A_64 = arith.constant 1 : i32
      %select_n3A_65 = arith.select %eq3A_63, %jit3A_64, %jit3A_61 : i32
      %rem3A_66 = vector.broadcast %select_n3A_65 : i32 to vector<16xi32>
      %rem3A_67 = arith.remsi %add3A_60, %rem3A_66 : vector<16xi32>
      %ne3A_68 = arith.constant 0 : i32
      %ne3A_69 = vector.broadcast %ne3A_68 : i32 to vector<16xi32>
      %ne3A_70 = arith.cmpi ne, %rem3A_67, %ne3A_69 : vector<16xi32>
      %lt3A_71 = arith.constant 0 : i32
      %lt3A_72 = vector.broadcast %lt3A_71 : i32 to vector<16xi32>
      %lt3A_73 = arith.cmpi slt, %rem3A_67, %lt3A_72 : vector<16xi32>
      %lt3A_74 = arith.constant 0 : i32
      %lt3A_75 = arith.cmpi slt, %select_n3A_65, %lt3A_74 : i32
      %ne3A_76 = vector.broadcast %lt3A_75 : i1 to vector<16xi1>
      %ne3A_77 = vector.broadcast %ne3A_76 : vector<16xi1> to vector<16xi1>
      %ne3A_78 = arith.xori %lt3A_73, %ne3A_77 : vector<16xi1>
      %and3A_79 = arith.andi %ne3A_78, %ne3A_70 : vector<16xi1>
      %add3A_80 = vector.broadcast %select_n3A_65 : i32 to vector<16xi32>
      %add3A_81 = arith.addi %rem3A_67, %add3A_80 : vector<16xi32>
      %select_n3A_82 = arith.select %and3A_79, %add3A_81, %rem3A_67 : vector<16xi1>, vector<16xi32>
      %eq3A_83 = arith.constant 0 : i32
      %eq3A_84 = vector.broadcast %eq3A_83 : i32 to vector<16xi32>
      %eq3A_85 = arith.cmpi eq, %select_n3A_82, %eq3A_84 : vector<16xi32>
      %jit3A_86 = arith.constant 999999 : i32
      %broadcast_in_dim3A = vector.broadcast %jit3A_86 : i32 to vector<16xi32>
      %select_n3A_87 = arith.select %eq3A_85, %broadcast_in_dim3A, %select_n3A_56 : vector<16xi1>, vector<16xi32>
      %mul3A_88 = arith.constant 16 : i32
      %mul3A_89 = arith.muli %scan3A_21, %mul3A_88 : i32
      %swap3A = arith.index_cast %mul3A_89 : i32 to index
      %swap3A_90 = tpu.vector_load %arg5[%swap3A] {strides = array<i32>} : memref<6400xi32, #tpu.memory_space<vmem>>, vector<16xi32>,
      %swap3A_91 = vector.shape_cast %swap3A_90 : vector<16xi32> to vector<16xi32>
      %swap3A_92 = vector.shape_cast %select_n3A_87 : vector<16xi32> to vector<16xi32>
      tpu.vector_store %arg5[%swap3A], %swap3A_92 {strides = array<i32>} : memref<6400xi32, #tpu.memory_space<vmem>>, vector<16xi32>,
      %scan3A_93 = arith.constant 0 : i32
      scf.yield %scan3A_93 : i32
    }
    %scan3A_13 = arith.constant 400 : i32
    %scan3A_14 = arith.constant 0 : i32
    %scan3A_15 = arith.constant 0 : i32
    %scan3A_16 = arith.constant 50 : i32
    %scan3A_17 = arith.addi %scan3A_15, %scan3A_16 : i32
    %scan3A_18 = arith.constant 1 : i32
    %scan3A_19 = scf.for %scan3A_21 = %scan3A_15 to %scan3A_17 step %scan3A_18 iter_args(%scan3A_22 = %scan3A_14) -> (i32)  : i32 {
      %mul3A_23 = arith.constant 128 : i32
      %mul3A_24 = arith.muli %scan3A_21, %mul3A_23 : i32
      %mul3A_25 = arith.constant 50 : i32
      %mul3A_26 = arith.muli %add3A, %mul3A_25 : i32
      %add3A_27 = arith.addi %mul3A_26, %scan3A_21 : i32
      "tpu.region"() ({
        %run_scoped3A = tpu.sem_alloc : memref<!tpu.dma_semaphore, #tpu.memory_space<semaphore_mem>>
        %dma_start3A = tpu.memref_slice %arg5[%mul3A_24] : memref<6400xi32, #tpu.memory_space<vmem>> -> memref<128xi32, #tpu.memory_space<vmem>>
        %dma_start3A_29 = arith.constant 0 : i32
        %dma_start3A_30 = tpu.memref_slice %arg3[%add3A_27, %dma_start3A_29] : memref<1600x128xi32, #tpu.memory_space<hbm>> -> memref<1x128xi32, #tpu.memory_space<hbm>>
        %dma_start3A_31 = tpu.memref_squeeze %dma_start3A_30 : memref<1x128xi32, #tpu.memory_space<hbm>> -> memref<128xi32, #tpu.memory_space<hbm>>
        %dma_start3A_32 = arith.constant 0 : i32
        %dma_start3A_33 = tpu.memref_slice %arg3[%add3A_27, %dma_start3A_32] : memref<1600x128xi32, #tpu.memory_space<hbm>> -> memref<1x128xi32, #tpu.memory_space<hbm>>
        %dma_start3A_34 = tpu.memref_squeeze %dma_start3A_33 : memref<1x128xi32, #tpu.memory_space<hbm>> -> memref<128xi32, #tpu.memory_space<hbm>>
        %dma_start3A_35 = tpu.memref_slice %arg5[%mul3A_24] : memref<6400xi32, #tpu.memory_space<vmem>> -> memref<128xi32, #tpu.memory_space<vmem>>
        tpu.enqueue_dma source(%dma_start3A_35 : memref<128xi32, #tpu.memory_space<vmem>>) target(%dma_start3A_34 : memref<128xi32, #tpu.memory_space<hbm>>) target_semaphore(%run_scoped3A : memref<!tpu.dma_semaphore, #tpu.memory_space<semaphore_mem>>)
        %dma_wait3A = tpu.memref_slice %arg5[%mul3A_24] : memref<6400xi32, #tpu.memory_space<vmem>> -> memref<128xi32, #tpu.memory_space<vmem>>
        %dma_wait3A_36 = arith.constant 0 : i32
        %dma_wait3A_37 = tpu.memref_slice %arg3[%add3A_27, %dma_wait3A_36] : memref<1600x128xi32, #tpu.memory_space<hbm>> -> memref<1x128xi32, #tpu.memory_space<hbm>>
        %dma_wait3A_38 = tpu.memref_squeeze %dma_wait3A_37 : memref<1x128xi32, #tpu.memory_space<hbm>> -> memref<128xi32, #tpu.memory_space<hbm>>
        %dma_wait3A_39 = arith.constant 0 : i32
        %dma_wait3A_40 = tpu.memref_slice %arg3[%add3A_27, %dma_wait3A_39] : memref<1600x128xi32, #tpu.memory_space<hbm>> -> memref<1x128xi32, #tpu.memory_space<hbm>>
        %dma_wait3A_41 = tpu.memref_squeeze %dma_wait3A_40 : memref<1x128xi32, #tpu.memory_space<hbm>> -> memref<128xi32, #tpu.memory_space<hbm>>
        %dma_wait3A_42 = tpu.memref_slice %arg5[%mul3A_24] : memref<6400xi32, #tpu.memory_space<vmem>> -> memref<128xi32, #tpu.memory_space<vmem>>
        tpu.wait_dma2 semaphore(%run_scoped3A : memref<!tpu.dma_semaphore, #tpu.memory_space<semaphore_mem>>) src(%dma_wait3A_42 : memref<128xi32, #tpu.memory_space<vmem>>) dst(%dma_wait3A_41 : memref<128xi32, #tpu.memory_space<hbm>>)
        tpu.yield
      }) : () -> ()
      %scan3A_28 = arith.constant 0 : i32
      scf.yield %scan3A_28 : i32
    }
    %scan3A_20 = arith.constant 50 : i32
    return
  }
}

#map = affine_map<(d0, d1) -> (0, 0)>
module attributes {stable_mosaic.version = 14 : i64} {
  func.func @_gather_body(%arg0: i32, %arg1: i32, %arg2: memref<800x128xi32, #tpu.memory_space<hbm>>, %arg3: memref<1000000x64xf32, #tpu.memory_space<hbm>>, %arg4: memref<102400x128xf32, #tpu.memory_space<hbm>>, %arg5: memref<128xi32, #tpu.memory_space<vmem>>, %arg6: memref<128x64xf32, #tpu.memory_space<vmem>>, %arg7: memref<!tpu.dma_semaphore, #tpu.memory_space<semaphore_mem>>) attributes {dimension_semantics = [#tpu.dimension_semantics<core_parallel>, #tpu.dimension_semantics<subcore_parallel>], iteration_bounds = array<i64: 2, 16>, scalar_prefetch = 0 : i64, scratch_operands = 3 : i64, tpu.core_type = #tpu.core_type<sc_vector_subcore>, window_params = [{transform_indices = #map}, {transform_indices = #map}, {transform_indices = #map}]} {
    %mul3A = arith.constant 2 : i32
    %mul3A_0 = arith.muli %arg1, %mul3A : i32
    %add3A = arith.addi %mul3A_0, %arg0 : i32
    %scan3A = arith.constant 0 : i32
    %scan3A_1 = arith.constant 0 : i32
    %scan3A_2 = arith.constant 25 : i32
    %scan3A_3 = arith.addi %scan3A_1, %scan3A_2 : i32
    %scan3A_4 = arith.constant 1 : i32
    %scan3A_5 = scf.for %scan3A_7 = %scan3A_1 to %scan3A_3 step %scan3A_4 iter_args(%scan3A_8 = %scan3A) -> (i32)  : i32 {
      %mul3A_9 = arith.constant 32 : i32
      %mul3A_10 = arith.muli %scan3A_7, %mul3A_9 : i32
      %add3A_11 = arith.addi %mul3A_10, %add3A : i32
      "tpu.region"() ({
        %run_scoped3A = tpu.sem_alloc : memref<!tpu.dma_semaphore, #tpu.memory_space<semaphore_mem>>
        %dma_start3A_19 = arith.constant 0 : i32
        %dma_start3A_20 = tpu.memref_slice %arg2[%add3A_11, %dma_start3A_19] : memref<800x128xi32, #tpu.memory_space<hbm>> -> memref<1x128xi32, #tpu.memory_space<hbm>>
        %dma_start3A_21 = tpu.memref_squeeze %dma_start3A_20 : memref<1x128xi32, #tpu.memory_space<hbm>> -> memref<128xi32, #tpu.memory_space<hbm>>
        %dma_start3A_22 = arith.constant 0 : i32
        %dma_start3A_23 = tpu.memref_slice %arg2[%add3A_11, %dma_start3A_22] : memref<800x128xi32, #tpu.memory_space<hbm>> -> memref<1x128xi32, #tpu.memory_space<hbm>>
        %dma_start3A_24 = tpu.memref_squeeze %dma_start3A_23 : memref<1x128xi32, #tpu.memory_space<hbm>> -> memref<128xi32, #tpu.memory_space<hbm>>
        tpu.enqueue_dma source(%dma_start3A_24 : memref<128xi32, #tpu.memory_space<hbm>>) target(%arg5 : memref<128xi32, #tpu.memory_space<vmem>>) target_semaphore(%run_scoped3A : memref<!tpu.dma_semaphore, #tpu.memory_space<semaphore_mem>>)
        %dma_wait3A_25 = arith.constant 0 : i32
        %dma_wait3A_26 = tpu.memref_slice %arg2[%add3A_11, %dma_wait3A_25] : memref<800x128xi32, #tpu.memory_space<hbm>> -> memref<1x128xi32, #tpu.memory_space<hbm>>
        %dma_wait3A_27 = tpu.memref_squeeze %dma_wait3A_26 : memref<1x128xi32, #tpu.memory_space<hbm>> -> memref<128xi32, #tpu.memory_space<hbm>>
        %dma_wait3A_28 = arith.constant 0 : i32
        %dma_wait3A_29 = tpu.memref_slice %arg2[%add3A_11, %dma_wait3A_28] : memref<800x128xi32, #tpu.memory_space<hbm>> -> memref<1x128xi32, #tpu.memory_space<hbm>>
        %dma_wait3A_30 = tpu.memref_squeeze %dma_wait3A_29 : memref<1x128xi32, #tpu.memory_space<hbm>> -> memref<128xi32, #tpu.memory_space<hbm>>
        tpu.wait_dma2 semaphore(%run_scoped3A : memref<!tpu.dma_semaphore, #tpu.memory_space<semaphore_mem>>) src(%dma_wait3A_30 : memref<128xi32, #tpu.memory_space<hbm>>) dst(%arg5 : memref<128xi32, #tpu.memory_space<vmem>>)
        tpu.yield
      }) : () -> ()
      %dma_start3A = arith.constant 0 : i32
      %dma_start3A_12 = arith.constant 0 : i32
      %dma_start3A_13 = tpu.memref_slice %arg3[%dma_start3A, %dma_start3A_12] : memref<1000000x64xf32, #tpu.memory_space<hbm>> -> memref<1000000x64xf32, #tpu.memory_space<hbm>>
      tpu.enqueue_indirect_dma source(%dma_start3A_13 : memref<1000000x64xf32, #tpu.memory_space<hbm>>) target(%arg6 : memref<128x64xf32, #tpu.memory_space<vmem>>) offsets(%arg5 : memref<128xi32, #tpu.memory_space<vmem>>) semaphore(%arg7 : memref<!tpu.dma_semaphore, #tpu.memory_space<semaphore_mem>>)
      %dma_wait3A = arith.constant 0 : i32
      %dma_wait3A_14 = arith.constant 0 : i32
      %dma_wait3A_15 = tpu.memref_slice %arg3[%dma_wait3A, %dma_wait3A_14] : memref<1000000x64xf32, #tpu.memory_space<hbm>> -> memref<1000000x64xf32, #tpu.memory_space<hbm>>
      tpu.wait_indirect_dma semaphore(%arg7 : memref<!tpu.dma_semaphore, #tpu.memory_space<semaphore_mem>>) src(%dma_wait3A_15 : memref<1000000x64xf32, #tpu.memory_space<hbm>>) dst(%arg6 : memref<128x64xf32, #tpu.memory_space<vmem>>)
      %mul3A_16 = arith.constant 128 : i32
      %mul3A_17 = arith.muli %add3A_11, %mul3A_16 : i32
      "tpu.region"() ({
        %run_scoped3A = tpu.sem_alloc : memref<!tpu.dma_semaphore, #tpu.memory_space<semaphore_mem>>
        %dma_start3A_19 = arith.constant 0 : i32
        %dma_start3A_20 = tpu.memref_slice %arg4[%mul3A_17, %dma_start3A_19] : memref<102400x128xf32, #tpu.memory_space<hbm>> -> memref<128x64xf32, #tpu.memory_space<hbm>>
        %dma_start3A_21 = arith.constant 0 : i32
        %dma_start3A_22 = tpu.memref_slice %arg4[%mul3A_17, %dma_start3A_21] : memref<102400x128xf32, #tpu.memory_space<hbm>> -> memref<128x64xf32, #tpu.memory_space<hbm>>
        tpu.enqueue_dma source(%arg6 : memref<128x64xf32, #tpu.memory_space<vmem>>) target(%dma_start3A_22 : memref<128x64xf32, #tpu.memory_space<hbm>>) target_semaphore(%run_scoped3A : memref<!tpu.dma_semaphore, #tpu.memory_space<semaphore_mem>>)
        %dma_wait3A_23 = arith.constant 0 : i32
        %dma_wait3A_24 = tpu.memref_slice %arg4[%mul3A_17, %dma_wait3A_23] : memref<102400x128xf32, #tpu.memory_space<hbm>> -> memref<128x64xf32, #tpu.memory_space<hbm>>
        %dma_wait3A_25 = arith.constant 0 : i32
        %dma_wait3A_26 = tpu.memref_slice %arg4[%mul3A_17, %dma_wait3A_25] : memref<102400x128xf32, #tpu.memory_space<hbm>> -> memref<128x64xf32, #tpu.memory_space<hbm>>
        tpu.wait_dma2 semaphore(%run_scoped3A : memref<!tpu.dma_semaphore, #tpu.memory_space<semaphore_mem>>) src(%arg6 : memref<128x64xf32, #tpu.memory_space<vmem>>) dst(%dma_wait3A_26 : memref<128x64xf32, #tpu.memory_space<hbm>>)
        tpu.yield
      }) : () -> ()
      %scan3A_18 = arith.constant 0 : i32
      scf.yield %scan3A_18 : i32
    }
    %scan3A_6 = arith.constant 25 : i32
    return
  }
}

#map = affine_map<(d0, d1) -> (0, 0)>
module attributes {stable_mosaic.version = 14 : i64} {
  func.func @_gather_body(%arg0: i32, %arg1: i32, %arg2: memref<800x128xi32, #tpu.memory_space<hbm>>, %arg3: memref<1000000x64xf32, #tpu.memory_space<hbm>>, %arg4: memref<102400x128xf32, #tpu.memory_space<hbm>>, %arg5: memref<128xi32, #tpu.memory_space<vmem>>, %arg6: memref<128x64xf32, #tpu.memory_space<vmem>>, %arg7: memref<!tpu.dma_semaphore, #tpu.memory_space<semaphore_mem>>) attributes {dimension_semantics = [#tpu.dimension_semantics<core_parallel>, #tpu.dimension_semantics<subcore_parallel>], iteration_bounds = array<i64: 2, 16>, scalar_prefetch = 0 : i64, scratch_operands = 3 : i64, tpu.core_type = #tpu.core_type<sc_vector_subcore>, window_params = [{transform_indices = #map}, {transform_indices = #map}, {transform_indices = #map}]} {
    %mul3A = arith.constant 2 : i32
    %mul3A_0 = arith.muli %arg1, %mul3A : i32
    %add3A = arith.addi %mul3A_0, %arg0 : i32
    %scan3A = arith.constant 0 : i32
    %scan3A_1 = arith.constant 0 : i32
    %scan3A_2 = arith.constant 25 : i32
    %scan3A_3 = arith.addi %scan3A_1, %scan3A_2 : i32
    %scan3A_4 = arith.constant 1 : i32
    %scan3A_5 = scf.for %scan3A_7 = %scan3A_1 to %scan3A_3 step %scan3A_4 iter_args(%scan3A_8 = %scan3A) -> (i32)  : i32 {
      %mul3A_9 = arith.constant 32 : i32
      %mul3A_10 = arith.muli %scan3A_7, %mul3A_9 : i32
      %add3A_11 = arith.addi %mul3A_10, %add3A : i32
      "tpu.region"() ({
        %run_scoped3A = tpu.sem_alloc : memref<!tpu.dma_semaphore, #tpu.memory_space<semaphore_mem>>
        %dma_start3A_19 = arith.constant 0 : i32
        %dma_start3A_20 = tpu.memref_slice %arg2[%add3A_11, %dma_start3A_19] : memref<800x128xi32, #tpu.memory_space<hbm>> -> memref<1x128xi32, #tpu.memory_space<hbm>>
        %dma_start3A_21 = tpu.memref_squeeze %dma_start3A_20 : memref<1x128xi32, #tpu.memory_space<hbm>> -> memref<128xi32, #tpu.memory_space<hbm>>
        %dma_start3A_22 = arith.constant 0 : i32
        %dma_start3A_23 = tpu.memref_slice %arg2[%add3A_11, %dma_start3A_22] : memref<800x128xi32, #tpu.memory_space<hbm>> -> memref<1x128xi32, #tpu.memory_space<hbm>>
        %dma_start3A_24 = tpu.memref_squeeze %dma_start3A_23 : memref<1x128xi32, #tpu.memory_space<hbm>> -> memref<128xi32, #tpu.memory_space<hbm>>
        tpu.enqueue_dma source(%dma_start3A_24 : memref<128xi32, #tpu.memory_space<hbm>>) target(%arg5 : memref<128xi32, #tpu.memory_space<vmem>>) target_semaphore(%run_scoped3A : memref<!tpu.dma_semaphore, #tpu.memory_space<semaphore_mem>>)
        %dma_wait3A_25 = arith.constant 0 : i32
        %dma_wait3A_26 = tpu.memref_slice %arg2[%add3A_11, %dma_wait3A_25] : memref<800x128xi32, #tpu.memory_space<hbm>> -> memref<1x128xi32, #tpu.memory_space<hbm>>
        %dma_wait3A_27 = tpu.memref_squeeze %dma_wait3A_26 : memref<1x128xi32, #tpu.memory_space<hbm>> -> memref<128xi32, #tpu.memory_space<hbm>>
        %dma_wait3A_28 = arith.constant 0 : i32
        %dma_wait3A_29 = tpu.memref_slice %arg2[%add3A_11, %dma_wait3A_28] : memref<800x128xi32, #tpu.memory_space<hbm>> -> memref<1x128xi32, #tpu.memory_space<hbm>>
        %dma_wait3A_30 = tpu.memref_squeeze %dma_wait3A_29 : memref<1x128xi32, #tpu.memory_space<hbm>> -> memref<128xi32, #tpu.memory_space<hbm>>
        tpu.wait_dma2 semaphore(%run_scoped3A : memref<!tpu.dma_semaphore, #tpu.memory_space<semaphore_mem>>) src(%dma_wait3A_30 : memref<128xi32, #tpu.memory_space<hbm>>) dst(%arg5 : memref<128xi32, #tpu.memory_space<vmem>>)
        tpu.yield
      }) : () -> ()
      %dma_start3A = arith.constant 0 : i32
      %dma_start3A_12 = arith.constant 0 : i32
      %dma_start3A_13 = tpu.memref_slice %arg3[%dma_start3A, %dma_start3A_12] : memref<1000000x64xf32, #tpu.memory_space<hbm>> -> memref<1000000x64xf32, #tpu.memory_space<hbm>>
      tpu.enqueue_indirect_dma source(%dma_start3A_13 : memref<1000000x64xf32, #tpu.memory_space<hbm>>) target(%arg6 : memref<128x64xf32, #tpu.memory_space<vmem>>) offsets(%arg5 : memref<128xi32, #tpu.memory_space<vmem>>) semaphore(%arg7 : memref<!tpu.dma_semaphore, #tpu.memory_space<semaphore_mem>>)
      %dma_wait3A = arith.constant 0 : i32
      %dma_wait3A_14 = arith.constant 0 : i32
      %dma_wait3A_15 = tpu.memref_slice %arg3[%dma_wait3A, %dma_wait3A_14] : memref<1000000x64xf32, #tpu.memory_space<hbm>> -> memref<1000000x64xf32, #tpu.memory_space<hbm>>
      tpu.wait_indirect_dma semaphore(%arg7 : memref<!tpu.dma_semaphore, #tpu.memory_space<semaphore_mem>>) src(%dma_wait3A_15 : memref<1000000x64xf32, #tpu.memory_space<hbm>>) dst(%arg6 : memref<128x64xf32, #tpu.memory_space<vmem>>)
      %mul3A_16 = arith.constant 128 : i32
      %mul3A_17 = arith.muli %add3A_11, %mul3A_16 : i32
      "tpu.region"() ({
        %run_scoped3A = tpu.sem_alloc : memref<!tpu.dma_semaphore, #tpu.memory_space<semaphore_mem>>
        %dma_start3A_19 = arith.constant 0 : i32
        %dma_start3A_20 = tpu.memref_slice %arg4[%mul3A_17, %dma_start3A_19] : memref<102400x128xf32, #tpu.memory_space<hbm>> -> memref<128x64xf32, #tpu.memory_space<hbm>>
        %dma_start3A_21 = arith.constant 0 : i32
        %dma_start3A_22 = tpu.memref_slice %arg4[%mul3A_17, %dma_start3A_21] : memref<102400x128xf32, #tpu.memory_space<hbm>> -> memref<128x64xf32, #tpu.memory_space<hbm>>
        tpu.enqueue_dma source(%arg6 : memref<128x64xf32, #tpu.memory_space<vmem>>) target(%dma_start3A_22 : memref<128x64xf32, #tpu.memory_space<hbm>>) target_semaphore(%run_scoped3A : memref<!tpu.dma_semaphore, #tpu.memory_space<semaphore_mem>>)
        %dma_wait3A_23 = arith.constant 0 : i32
        %dma_wait3A_24 = tpu.memref_slice %arg4[%mul3A_17, %dma_wait3A_23] : memref<102400x128xf32, #tpu.memory_space<hbm>> -> memref<128x64xf32, #tpu.memory_space<hbm>>
        %dma_wait3A_25 = arith.constant 0 : i32
        %dma_wait3A_26 = tpu.memref_slice %arg4[%mul3A_17, %dma_wait3A_25] : memref<102400x128xf32, #tpu.memory_space<hbm>> -> memref<128x64xf32, #tpu.memory_space<hbm>>
        tpu.wait_dma2 semaphore(%run_scoped3A : memref<!tpu.dma_semaphore, #tpu.memory_space<semaphore_mem>>) src(%arg6 : memref<128x64xf32, #tpu.memory_space<vmem>>) dst(%dma_wait3A_26 : memref<128x64xf32, #tpu.memory_space<hbm>>)
        tpu.yield
      }) : () -> ()
      %scan3A_18 = arith.constant 0 : i32
      scf.yield %scan3A_18 : i32
    }
    %scan3A_6 = arith.constant 25 : i32
    return
  }
}

module attributes {stable_mosaic.version = 14 : i64} {
  func.func @_mm_body(%arg0: i32, %arg1: memref<6400x128xf32, #tpu.memory_space<vmem>>, %arg2: memref<64x512xf32, #tpu.memory_space<vmem>>, %arg3: memref<6400x512xf32, #tpu.memory_space<vmem>>) attributes {dimension_semantics = [#tpu.dimension_semantics<arbitrary>], iteration_bounds = array<i64: 16>, scalar_prefetch = 0 : i64, scratch_operands = 0 : i64, tpu.core_type = #tpu.core_type<tc>, window_params = [{transform_indices = @transform_0, window_bounds = array<i64: 6400, 128>}, {pipeline_mode = #tpu.pipeline_mode<synchronous>, transform_indices = @transform_1, window_bounds = array<i64: 64, 512>}, {transform_indices = @transform_2, window_bounds = array<i64: 6400, 512>}]} {
    %get3A = arith.constant 0 : index
    %get3A_0 = arith.constant 0 : index
    %get3A_1 = vector.load %arg1[%get3A, %get3A_0] : memref<6400x128xf32, #tpu.memory_space<vmem>>, vector<6400x64xf32>
    %get3A_2 = arith.constant 0 : index
    %get3A_3 = arith.constant 0 : index
    %get3A_4 = vector.load %arg2[%get3A_2, %get3A_3] : memref<64x512xf32, #tpu.memory_space<vmem>>, vector<64x512xf32>
    %dot_general3A = arith.constant dense<0.000000e+00> : vector<6400x512xf32>
    %dot_general3A_5 = tpu.matmul %get3A_1, %get3A_4, %dot_general3A {dimension_numbers = #tpu.dot_dimension_numbers<[1], [0], [0], [1], [0, 0, 1, 1], [], []>, transpose_lhs_hint = false} : vector<6400x64xf32>, vector<64x512xf32>, vector<6400x512xf32> -> vector<6400x512xf32>
    %swap3A = arith.constant 0 : index
    %swap3A_6 = arith.constant 0 : index
    %swap3A_7 = vector.load %arg3[%swap3A, %swap3A_6] : memref<6400x512xf32, #tpu.memory_space<vmem>>, vector<6400x512xf32>
    tpu.vector_store %arg3[%swap3A, %swap3A_6], %dot_general3A_5 {strides = array<i32>} : memref<6400x512xf32, #tpu.memory_space<vmem>>, vector<6400x512xf32>,
    return
  }
  func.func @transform_0(%arg0: i32) -> (i32, i32) {
    %c0_i32 = arith.constant 0 : i32
    %c0_i32_0 = arith.constant 0 : i32
    return %arg0, %c0_i32 : i32, i32
  }
  func.func @transform_1(%arg0: i32) -> (i32, i32) {
    %c0_i32 = arith.constant 0 : i32
    %c0_i32_0 = arith.constant 0 : i32
    %c0_i32_1 = arith.constant 0 : i32
    return %c0_i32, %c0_i32_0 : i32, i32
  }
  func.func @transform_2(%arg0: i32) -> (i32, i32) {
    %add3A = arith.constant 0 : i32
    %add3A_0 = arith.addi %add3A, %arg0 : i32
    %c0_i32 = arith.constant 0 : i32
    %c0_i32_1 = arith.constant 0 : i32
    return %add3A_0, %c0_i32 : i32, i32
  }
}

module attributes {stable_mosaic.version = 14 : i64} {
  func.func @_mm_body_acc(%arg0: i32, %arg1: memref<6400x128xf32, #tpu.memory_space<vmem>>, %arg2: memref<64x512xf32, #tpu.memory_space<vmem>>, %arg3: memref<204800x512xf32, #tpu.memory_space<any>>, %arg4: memref<6400x512xf32, #tpu.memory_space<vmem>>) attributes {dimension_semantics = [#tpu.dimension_semantics<arbitrary>], iteration_bounds = array<i64: 16>, scalar_prefetch = 0 : i64, scratch_operands = 0 : i64, tpu.core_type = #tpu.core_type<tc>, window_params = [{transform_indices = @transform_0, window_bounds = array<i64: 6400, 128>}, {pipeline_mode = #tpu.pipeline_mode<synchronous>, transform_indices = @transform_1, window_bounds = array<i64: 64, 512>}, {}, {transform_indices = @transform_3, window_bounds = array<i64: 6400, 512>}]} {
    %get3A = arith.constant 0 : index
    %get3A_0 = arith.constant 0 : index
    %get3A_1 = vector.load %arg1[%get3A, %get3A_0] : memref<6400x128xf32, #tpu.memory_space<vmem>>, vector<6400x64xf32>
    %get3A_2 = arith.constant 0 : index
    %get3A_3 = arith.constant 0 : index
    %get3A_4 = vector.load %arg2[%get3A_2, %get3A_3] : memref<64x512xf32, #tpu.memory_space<vmem>>, vector<64x512xf32>
    %dot_general3A = arith.constant dense<0.000000e+00> : vector<6400x512xf32>
    %dot_general3A_5 = tpu.matmul %get3A_1, %get3A_4, %dot_general3A {dimension_numbers = #tpu.dot_dimension_numbers<[1], [0], [0], [1], [0, 0, 1, 1], [], []>, transpose_lhs_hint = false} : vector<6400x64xf32>, vector<64x512xf32>, vector<6400x512xf32> -> vector<6400x512xf32>
    %swap3A = arith.constant 0 : index
    %swap3A_6 = arith.constant 0 : index
    %swap3A_7 = vector.load %arg4[%swap3A, %swap3A_6] : memref<6400x512xf32, #tpu.memory_space<vmem>>, vector<6400x512xf32>
    tpu.vector_store %arg4[%swap3A, %swap3A_6], %dot_general3A_5 {strides = array<i32>} : memref<6400x512xf32, #tpu.memory_space<vmem>>, vector<6400x512xf32>,
    return
  }
  func.func @transform_0(%arg0: i32) -> (i32, i32) {
    %c0_i32 = arith.constant 0 : i32
    %c0_i32_0 = arith.constant 0 : i32
    return %arg0, %c0_i32 : i32, i32
  }
  func.func @transform_1(%arg0: i32) -> (i32, i32) {
    %c0_i32 = arith.constant 0 : i32
    %c0_i32_0 = arith.constant 0 : i32
    %c0_i32_1 = arith.constant 0 : i32
    return %c0_i32, %c0_i32_0 : i32, i32
  }
  func.func @transform_3(%arg0: i32) -> (i32, i32) {
    %add3A = arith.constant 16 : i32
    %add3A_0 = arith.addi %add3A, %arg0 : i32
    %c0_i32 = arith.constant 0 : i32
    %c0_i32_1 = arith.constant 0 : i32
    return %add3A_0, %c0_i32 : i32, i32
  }
}

</mosaic_0001>

<sc_bundles>
// kernel: _pipeline.10.cloned.1.call-start
scs
__scs_entry_jumppad:
0x0: {  	(pc) =	sbr.rel $0x88, $3  }
0x1: {  	(tag) =	ssettag $0x0;
	lr =	simm.s32 $0x1  }
0x2: {  	[smem:$0x3F9D] =	sst lr;
	_ =	strace $0xD0000000  }
0x3: {  	_ = 	snop  }
0x4: {  	_ = 	snop  }
0x5: {  	_ = 	snop  }
0x6: {  	_ = 	snop  }
0x7: {  	_ = 	snop  }
__scs_overlays_trampoline_lowered:
0x8: {  	[smem:$0x3FAC] =	sst s0  }
0x9: {  	[smem:$0x3FAD] =	sst s1  }
0xa: {  	[smem:$0x3FAE] =	sst s2  }
0xb: {  	[smem:$0x3FAF] =	sst s3  }
0xc: {  	[smem:$0x3FB0] =	sst s4  }
0xd: {  	[smem:$0x3FB1] =	sst s5  }
0xe: {  	[smem:$0x3FB2] =	sst s6  }
0xf: {  	[smem:$0x3FB3] =	sst s7  }
0x10: {  	[smem:$0x3FB4] =	sst s8  }
0x11: {  	[smem:$0x3FB5] =	sst s9;
	s0 =	simm.s32 @!p0 $0x0  }
0x12: {  	s1 =	sld [smem:$0x3F9B];
	s0 =	simm.s32 @p0 $0x1  }
0x13: {  	[smem:$0x3FB6] =	sst s0;
	s0 =	simm.s32 @!p1 $0x0  }
0x14: {  	s2 =	sld [smem:$0x3F9A];
	s0 =	simm.s32 @p1 $0x1  }
0x15: {  	[smem:$0x3FB7] =	sst s0;
	s0 =	simm.s32 @!p2 $0x0  }
0x16: {  	s3 =	sld [smem:$0x3FDB];
	s0 =	simm.s32 @p2 $0x1  }
0x17: {  	s4 =	simm.s32 $0x1BF5;
	[smem:$0x3FB9] =	sst s0  }
0x18: {  	s0 =	sld [smem:$0x3F9C];
	_ =	swait.ge [sflag:s4], $0x0  }
0x19: {  	s7 =	sld [smem:$0x3F9D]  }
0x1a: {  	s8 =	sadd.s32 $0xFFFFE003, lr  }
0x1b: {  	s9 =	sadd.s32 $0xFFFFFEF7, lr;
	s5 =	simm.s32 $0xFFFFFFFF;
	p2 =	slt.u32 s8, $0xFFFFF086  }
0x1c: {  	p1 =	slt.u32 s9, $0xF7A;
	s5 =	simm.s32 @!p2 $0x0  }
0x1d: {  	s5 =	simm.s32 @p1 $0x1;
	p0 =	seq.s32 s7, s2  }
0x1e: {  	s7 =	smul.u32 @!p0 $0xF7A, s2;
	p2 =	seq.s32 @!p0 s5, $0x0  }
0x1f: {  	s9 =	smul.u32 $0xF7A, s1;
	s8 =	simm.s32 @!p0 $0x1BF5;
	p2 =	por !p2, p0  }
0x20: {  	[sflag:s8] =	ssyncset.s32 @!p0 $0xFFFFF086;
	s6 =	sadd.s32 @!p0 s3, s7;
	s7 =	simm.s32 @!p0 $0x108  }
0x21: {  	s3 =	sadd.s32 s3, s9;
	s6 =	sadd.s32 @!p0 $0x88, s6;
	s7 =	simm.s32 @p2 $0x1082  }
0x22: {  	[simem:s7], [sflag:s8] =	dma.local @!p0 [hbm:s6], $0xF7A  }
0x23: {  	s9 =	sor.u32 $0xD0000000, s2;
	s6 =	simm.s32 $0x108;
	_ =	swait.ge @!p0 [sflag:s8], $0x0  }
0x24: {  	s3 =	sadd.s32 $0x88, s3;
	s6 =	simm.s32 @!p1 $0x1082;
	[sflag:s4] =	ssyncset.s32 $0xFFFFF086  }
0x25: {  	[simem:s6], [sflag:s4] =	dma.local [hbm:s3], $0xF7A  }
0x26: {  	[smem:$0x3F9D] =	sst s1;
	(tag) =	ssettag s2;
	_ =	strace s9  }
0x27: {  	s1 =	sld [smem:$0x3FAD]  }
0x28: {  	s2 =	sld [smem:$0x3FAE]  }
0x29: {  	s4 =	sld [smem:$0x3FB0]  }
0x2a: {  	p0 =	seq.s32 s5, $0x0;
	s5 =	sld [smem:$0x3FB1]  }
0x2b: {  	s6 =	sld [smem:$0x3FB2]  }
0x2c: {  	s7 =	sld [smem:$0x3FB3]  }
0x2d: {  	s3 =	simm.s32 $0x108;
	s8 =	sld [smem:$0x3FB4]  }
0x2e: {  	s3 =	simm.s32 @!p0 $0x1082;
	s9 =	sld [smem:$0x3FB5]  }
0x2f: {  	lr =	sadd.s32 s0, s3;
	s0 =	sld [smem:$0x3FAC]  }
0x30: {  	s3 =	sld [smem:$0x3FAF]  }
0x31: {  	[smem:$0x3FB8] =	sst s10  }
0x32: {  	s10 =	sld [smem:$0x3FB6];
	_ =	sdelay $0x3  }
0x33: {  	p0 =	seq.s32 s10, $0x1;
	s10 =	sld [smem:$0x3FB8];
	_ =	sdelay $0x3  }
0x34: {  	[smem:$0x3FB8] =	sst s10  }
0x35: {  	s10 =	sld [smem:$0x3FB7];
	_ =	sdelay $0x3  }
0x36: {  	p1 =	seq.s32 s10, $0x1;
	s10 =	sld [smem:$0x3FB8];
	_ =	sdelay $0x3  }
0x37: {  	[smem:$0x3FB8] =	sst s10  }
0x38: {  	s10 =	sld [smem:$0x3FB9]  }
0x39: {  	_ = 	snop;
	(pc) =	sbr.ind lr, $3  }
0x3a: {  	_ = 	snop  }
0x3b: {  	_ = 	snop  }
0x3c: {  	p2 =	seq.s32 s10, $0x1;
	s10 =	sld [smem:$0x3FB8]  }
0x3d: {  	_ =	shalt  }
0x3e: {  	_ =	shalt  }
0x3f: {  	_ =	shalt  }
0x40: {  	_ =	shalt  }
0x41: {  	_ =	shalt  }
0x42: {  	_ =	shalt  }
0x43: {  	_ =	shalt  }
0x44: {  	_ =	shalt  }
0x45: {  	_ =	shalt  }
0x46: {  	_ =	shalt  }
0x47: {  	_ =	shalt  }
0x48: {  	_ =	shalt  }
0x49: {  	_ =	shalt  }
0x4a: {  	_ =	shalt  }
0x4b: {  	_ =	shalt  }
0x4c: {  	_ =	shalt  }
0x4d: {  	_ =	shalt  }
0x4e: {  	_ =	shalt  }
0x4f: {  	_ =	shalt  }
0x50: {  	_ =	shalt  }
0x51: {  	_ =	shalt  }
0x52: {  	_ =	shalt  }
0x53: {  	_ =	shalt  }
0x54: {  	_ =	shalt  }
0x55: {  	_ =	shalt  }
0x56: {  	_ =	shalt  }
0x57: {  	_ =	shalt  }
0x58: {  	_ =	shalt  }
0x59: {  	_ =	shalt  }
0x5a: {  	_ =	shalt  }
0x5b: {  	_ =	shalt  }
0x5c: {  	_ =	shalt  }
0x5d: {  	_ =	shalt  }
0x5e: {  	_ =	shalt  }
0x5f: {  	_ =	shalt  }
0x60: {  	_ =	shalt  }
0x61: {  	_ =	shalt  }
0x62: {  	_ =	shalt  }
0x63: {  	_ =	shalt  }
0x64: {  	_ =	shalt  }
0x65: {  	_ =	shalt  }
0x66: {  	_ =	shalt  }
0x67: {  	_ =	shalt  }
0x68: {  	_ =	shalt  }
0x69: {  	_ =	shalt  }
0x6a: {  	_ =	shalt  }
0x6b: {  	_ =	shalt  }
0x6c: {  	_ =	shalt  }
0x6d: {  	_ =	shalt  }
0x6e: {  	_ =	shalt  }
0x6f: {  	_ =	shalt  }
0x70: {  	_ =	shalt  }
0x71: {  	_ =	shalt  }
0x72: {  	_ =	shalt  }
0x73: {  	_ =	shalt  }
0x74: {  	_ =	shalt  }
0x75: {  	_ =	shalt  }
0x76: {  	_ =	shalt  }
0x77: {  	_ =	shalt  }
0x78: {  	_ =	shalt  }
0x79: {  	_ =	shalt  }
0x7a: {  	_ =	shalt  }
0x7b: {  	_ =	shalt  }
0x7c: {  	_ =	shalt  }
0x7d: {  	_ =	shalt  }
0x7e: {  	_ =	shalt  }
0x7f: {  	_ =	shalt  }
0x80: {  	_ =	shalt  }
0x81: {  	_ =	shalt  }
0x82: {  	_ =	shalt  }
0x83: {  	_ =	shalt  }
0x84: {  	_ =	shalt  }
0x85: {  	_ =	shalt  }
0x86: {  	_ =	shalt  }
0x87: {  	_ =	shalt  }
.Lfunc_end0:
.L_simem_size_0:
called_computation.2_lowered:
.L_overlay_start_0:
0x88: {  	s2 =	sld [smem:$0x3FD9]  }
0x89: {  	s3 =	sld [smem:$0x3FFE];
	_ =	sdelay $0x1  }
0x8a: {  	s1 =	srdreg.scid  }
0x8b: {  	s0 =	sand.u32 $0x1, s1  }
0x8c: {  	s16 =	sshll.u32 s0, $0xA;
	s2 =	sadd.s32 s3, s2  }
0x8d: {  	s2 =	sadd.s32 s2, s16  }
0x8e: {  	[smem:$0x3FC4] =	sst s2  }
0x8f: {  	_ = 	snop  }
0x90: {  	(tm) =	ssettm $0x1  }
0x91: {  	s17 =	sld [smem:$0x3FFB];
	_ =	sdelay $0x3  }
0x92: {  	_ =	strace s17  }
0x93: {  	s2 =	sld [smem:$0x3FFC];
	_ =	sdelay $0x3  }
0x94: {  	_ =	strace s2  }
0x95: {  	s2 =	sld [smem:$0x3FFD];
	_ =	sdelay $0x3  }
0x96: {  	_ =	strace s2  }
0x97: {  	_ =	strace $0x8FFFFFFF  }
0x98: {  	s18 =	sld [smem:$0x3FDB];
	_ =	sdelay $0x1  }
0x99: {  	s19 =	simm.s32 $_scs_section_size  }
0x9a: {  	s4 =	simm.s32 $_size__tile_overlayer_lowered;
	s5 =	simm.s32 $_tile_overlayer_lowered  }
0x9b: {  	s22 =	simm.s32 $0x1BFF;
	s21 =	sshll.u32 s5, $0x1;
	s2 =	sadd.s32 s19, s18  }
0x9c: {  	s6 =	simm.s32 $0x0;
	s20 =	sshll.u32 s4, $0x1;
	s4 =	sadd.s32 s21, s2  }
0x9d: {  	[timem:s6], [sflag:s22] =	dma.local [hbm:s4], s20  }
0x9e: {  	_ =	swait.ge [sflag:s22], s20  }
0x9f: {  	s3 =	ssub.s32 $0x0, s20;
	[sflag:s22] =	ssyncset.done $0x0  }
0xa0: {  	[sflag:s22] =	ssyncadd.s32 s3;
	_ =	sdelay $0x1  }
0xa1: {  	s23 =	simm.s32 $0x1B8B  }
0xa2: {  	_ =	swait.ge [sflag:s23], $0x1  }
0xa3: {  	[sflag:s23] =	ssyncset.done $0x0  }
0xa4: {  	s25 =	simm.s32 $0x1B8E;
	s24 =	sld [smem:$0x3FFE];
	[sflag:s23] =	ssyncadd.s32 $0xFFFFFFFF  }
0xa5: {  	s26 =	simm.s32 $execute0_lowered;
	[smem:$0x3FD2] =	sst s25  }
0xa6: {  	s4 =	sshll.u32 s26, $0x1;
	_ =	strace $0x8000004C;
	[dreg:$0x1] =	wrdreg $0xFFFFFFFF  }
0xa7: {  	s28 =	simm.s32 $_size_execute0_lowered;
	s2 =	sadd.s32 s2, s4;
	[dreg:$0x0] =	wrdreg $0x0  }
0xa8: {  	s4 =	sshll.u32 s28, $0x1;
	[dreg:$0x2] =	wrdreg s2  }
0xa9: {  	[dreg:$0x3] =	wrdreg s4  }
0xaa: {  	[dreg:$0x4] =	wrdreg $0xC0  }
0xab: {  	_ =	task [dreg:s6], $0x5FFFF  }
0xac: {  	[dreg:$0x1] =	wrdreg $0xFFFFFFFF  }
0xad: {  	[dreg:$0x0] =	wrdreg $0x60  }
0xae: {  	[dreg:$0x2] =	wrdreg s24  }
0xaf: {  	[dreg:$0x3] =	wrdreg $0x9  }
0xb0: {  	_ =	task.clear_ibuf [dreg:s6], $0x4FFFF;
	_ =	strace $0x9000004C  }
0xb1: {  	s29 =	simm.s32 $0x9;
	_ =	strace $0x8000004E  }
0xb2: {  	_ =	swait.ge [sflag:s29], $0x1  }
0xb3: {  	[sflag:s29] =	ssyncadd.s32 $0xFFFFFFFF  }
0xb4: {  	_ =	strace $0x9000004E  }
0xb5: {  	_ =	sfence  }
0xb6: {  	s30 =	sld [smem:$0x0];
	_ =	sdelay $0x2  }
0xb7: {  	s31 =	sshll.u32 s1, $0xD;
	s1 =	sshrl.u32 s1, $0x2  }
0xb8: {  	s3 =	sand.u32 $0x4000, s31;
	s1 =	sadd.s32 s1, s30  }
0xb9: {  	s0 =	sor.u32 s3, s0;
	s1 =	sshll.u32 s1, $0x11  }
0xba: {  	s0 =	sor.u32 s1, s0  }
0xbb: {  	s0 =	sadd.s32 $0x8F2B, s0  }
0xbc: {  	[sflag:s0] =	ssyncadd.remote.s32 $0x1  }
0xbd: {  	_ =	sfence.sel $0xFFFF  }
0xbe: {  	[dreg:$0x0] =	wrdreg $0xFFFFFFFF;
	(pc) =	sbr.abs _section_cstart, $3  }
0xbf: {  	[dreg:$0x1] =	wrdreg $0xFFFFFFFF  }
0xc0: {  	_ =	task.clear_ibuf [dreg:s6], $0x2FFFF;
	_ =	strace $0x9FFFFFFF  }
0xc1: {  	(tm) =	ssettm $0x7FFFFFFF  }
tec
execute0_lowered:
.L_overlay_start_1:
0x0: {  	(tag) =	ssettag $0x1  }
0x1: {  	s3 =	rddreg [dreg:$0x0]  }
0x2: {  	s0 =	rddreg [dreg:$0x1]  }
0x3: {  	s4 =	srdreg.scid;
	s2 =	simm.s32 $0x0;
	s1 =	stileid.u32  }
0x4: {  	s10 =	simm.s32 $0x40;
	s11 =	simm.s32 $0x0;
	s4 =	sand.u32 $0x1, s4  }
0x5: {  	[smem:$0x7FF] =	sst s2;
	s5 =	sshll.u32 s1, $0x8;
	s30 =	sshll.u32 s1, $0xC  }
0x6: {  	s6 =	sshll.u32 s4, $0x7;
	_ =	strace $0x8000004D;
	s7 =	ssub.s32 $0x2, s4  }
0x7: {  	s4 =	sshll.u32 s4, $0xB;
	s5 =	sor.u32 s6, s5;
	s8 =	sshrl.u32 s7, $0x1  }
0x8: {  	s6 =	sadd.s32 s30, s3;
	s5 =	sshrl.u32 s5, $0x3;
	s31 =	ssub.s32 s7, s8  }
0x9: {  	s6 =	sadd.s32 s4, s6;
	s7 =	simm.s32 $0x2;
	s8 =	simm.s32 $0x80  }
0xa: {  	s9 =	sadd.s32 s5, s3;
	s3 =	sadd.s32 $0xF49C00, s3;
	s4 =	smax.u32 s31, $0x1  }
0xb: {  	s5 =	sadd.s32 $0x7800, s6;
	s6 =	sadd.s32 $0x1400, s9;
	s9 =	simm.s32 $0x1  }
.LBB2_1:
0xc: {  	s12 =	sadd.s32 $0x0, s6  }
0xd: {  	[tilespmem:s2], [sflag:$0x2] =	stream.linear.gather [hbm4b:s12+s2], $0x80, $0x38;
	[tilespmem:$0x2080] =	vst v63  }
0xe: {  	_ =	swait.ge [sflag:s7], $0x80  }
0xf: {  	[sflag:s7] =	ssyncset.done $0x0  }
0x10: {  	[sflag:s7] =	ssyncadd.s32 $0xFFFFFF80  }
0x11: {  	[tilespmem:s8], [sflag:$0x1] =	stream.indirect.gather [hbm4b:s3+s8], $0x40, s2, s8, $0xb8;
	[tilespmem:$0x2080] =	vst v63  }
0x12: {  	_ =	swait.ge [sflag:s9], $0x2000  }
0x13: {  	[sflag:s9] =	ssyncset.done $0x0  }
0x14: {  	[sflag:s9] =	ssyncadd.s32 $0xFFFFE000  }
0x15: {  	[hbm4b:s5+s10] =	stream.strided.scatter [tilespmem:s8], [sflag:$0x2], $0x2000, s8, s10, $0x38;
	[tilespmem:$0x2080] =	vst v63  }
0x16: {  	s13 =	simm.s32 $0x200;
	_ =	swait.ge [sflag:s7], $0x2000  }
0x17: {  	s14 =	simm.s32 $0x400;
	s12 =	sadd.s32 $0x10000, s5;
	[sflag:s7] =	ssyncset.done $0x0  }
.LBB2_2:
0x18: {  	s15 =	sadd.s32 s13, s6  }
0x19: {  	[sflag:s7] =	ssyncadd.s32 $0xFFFFE000;
	s13 =	smov.u32 s14;
	s16 =	sadd.s32 $0x200, s14  }
0x1a: {  	[tilespmem:s2], [sflag:$0x2] =	stream.linear.gather [hbm4b:s15+s2], $0x80, $0x38;
	[tilespmem:$0x2080] =	vst v63  }
0x1b: {  	p0 =	sne.s32 s14, $0x3000;
	_ =	swait.ge [sflag:s7], $0x80  }
0x1c: {  	[sflag:s7] =	ssyncset.done $0x0  }
0x1d: {  	[sflag:s7] =	ssyncadd.s32 $0xFFFFFF80  }
0x1e: {  	[tilespmem:s8], [sflag:$0x1] =	stream.indirect.gather [hbm4b:s3+s8], $0x40, s2, s8, $0xb8;
	[tilespmem:$0x2080] =	vst v63  }
0x1f: {  	_ =	swait.ge [sflag:s9], $0x2000  }
.Ltmp0:
0x20: {  	[sflag:s9] =	ssyncset.done $0x0;
	(pc) =	sbr.rel @p0 .LBB2_2-.Ltmp0, $4  }
0x21: {  	[sflag:s9] =	ssyncadd.s32 $0xFFFFE000  }
0x22: {  	[hbm4b:s12+s10] =	stream.strided.scatter [tilespmem:s8], [sflag:$0x2], $0x2000, s8, s10, $0x38;
	[tilespmem:$0x2080] =	vst v63  }
0x23: {  	_ =	swait.ge [sflag:s7], $0x2000  }
0x24: {  	s14 =	smov.u32 s16;
	s12 =	sadd.s32 $0x10000, s12;
	[sflag:s7] =	ssyncset.done $0x0  }
0x25: {  	s13 =	sadd.s32 s13, s6;
	[sflag:s7] =	ssyncadd.s32 $0xFFFFE000  }
0x26: {  	[tilespmem:s2], [sflag:$0x2] =	stream.linear.gather [hbm4b:s13+s2], $0x80, $0x38;
	[tilespmem:$0x2080] =	vst v63  }
0x27: {  	_ =	swait.ge [sflag:s7], $0x80  }
0x28: {  	[sflag:s7] =	ssyncset.done $0x0  }
0x29: {  	[sflag:s7] =	ssyncadd.s32 $0xFFFFFF80  }
0x2a: {  	[tilespmem:s8], [sflag:$0x1] =	stream.indirect.gather [hbm4b:s3+s8], $0x40, s2, s8, $0xb8;
	[tilespmem:$0x2080] =	vst v63  }
0x2b: {  	s11 =	sadd.s32 $0x1, s11;
	_ =	swait.ge [sflag:s9], $0x2000  }
0x2c: {  	p0 =	sne.s32 s11, s4;
	[sflag:s9] =	ssyncset.done $0x0  }
.Ltmp1:
0x2d: {  	[sflag:s9] =	ssyncadd.s32 $0xFFFFE000;
	(pc) =	sbr.rel @p0 .LBB2_1-.Ltmp1, $4  }
0x2e: {  	[hbm4b:s12+s10] =	stream.strided.scatter [tilespmem:s8], [sflag:$0x2], $0x2000, s8, s10, $0x38;
	[tilespmem:$0x2080] =	vst v63  }
0x2f: {  	_ =	swait.ge [sflag:s7], $0x2000  }
0x30: {  	[sflag:s7] =	ssyncset.done $0x0  }
0x31: {  	[sflag:s7] =	ssyncadd.s32 $0xFFFFE000  }
0x32: {  	_ =	sfence.sel $0x180000  }
0x33: {  	[bflag:$0x0] =	sbarrier.arrive $0xFFFF  }
0x34: {  	p0 =	sne.s32 s1, $0x0;
	_ =	strace $0x9000004D  }
0x35: {  	s0 =	sadd.s32 @!p0 $0x100000, s0;
	[bflag:$0x2] =	sbarrier.arrive $0xFFFF  }
0x36: {  	[sflag:s0] =	ssyncadd.tile.s32 @!p0 $0x1;
	_ =	shalt  }
.Lfunc_end2:
_tile_overlayer_lowered:
.L_overlay_start_2:
0x37: {  	(tag) =	ssettag $0x2  }
0x38: {  	s0 =	rddreg [dreg:$0x0];
	s2 =	stileid.u32  }
0x39: {  	s1 =	rddreg [dreg:$0x1];
	p0 =	sne.s32 s2, $0x0  }
0x3a: {  	s3 =	rddreg [dreg:$0x2];
	[bflag:$0x3] =	sbarrier.arrive $0xFFFF;
	s2 =	simm.s32 @!p0 $0x1C02  }
0x3b: {  	[timem:s3], [sflag:s2] =	dma.local @!p0 [hbm:s0], s1  }
0x3c: {  	s0 =	simm.s32 @!p0 $0x2  }
0x3d: {  	_ =	swait.ge @!p0 [sflag:s0], s1  }
0x3e: {  	s1 =	ssub.s32 @!p0 $0x0, s1;
	[sflag:s0] =	ssyncset.done @!p0 $0x0  }
0x3f: {  	[sflag:s0] =	ssyncadd.s32 @!p0 s1  }
0x40: {  	[bflag:$0x3] =	sbarrier.arrive $0xFFFF  }
0x41: {  	_ =	shalt  }

// kernel: _pipeline.13.cloned.1.call-start
scs
__scs_entry_jumppad:
0x0: {  	(pc) =	sbr.rel $0x88, $3  }
0x1: {  	(tag) =	ssettag $0x0;
	lr =	simm.s32 $0x1  }
0x2: {  	[smem:$0x3F9D] =	sst lr;
	_ =	strace $0xD0000000  }
0x3: {  	_ = 	snop  }
0x4: {  	_ = 	snop  }
0x5: {  	_ = 	snop  }
0x6: {  	_ = 	snop  }
0x7: {  	_ = 	snop  }
__scs_overlays_trampoline_lowered:
0x8: {  	[smem:$0x3FAC] =	sst s0  }
0x9: {  	[smem:$0x3FAD] =	sst s1  }
0xa: {  	[smem:$0x3FAE] =	sst s2  }
0xb: {  	[smem:$0x3FAF] =	sst s3  }
0xc: {  	[smem:$0x3FB0] =	sst s4  }
0xd: {  	[smem:$0x3FB1] =	sst s5  }
0xe: {  	[smem:$0x3FB2] =	sst s6  }
0xf: {  	[smem:$0x3FB3] =	sst s7  }
0x10: {  	[smem:$0x3FB4] =	sst s8  }
0x11: {  	[smem:$0x3FB5] =	sst s9;
	s0 =	simm.s32 @!p0 $0x0  }
0x12: {  	s1 =	sld [smem:$0x3F9B];
	s0 =	simm.s32 @p0 $0x1  }
0x13: {  	[smem:$0x3FB6] =	sst s0;
	s0 =	simm.s32 @!p1 $0x0  }
0x14: {  	s2 =	sld [smem:$0x3F9A];
	s0 =	simm.s32 @p1 $0x1  }
0x15: {  	[smem:$0x3FB7] =	sst s0;
	s0 =	simm.s32 @!p2 $0x0  }
0x16: {  	s3 =	sld [smem:$0x3FDB];
	s0 =	simm.s32 @p2 $0x1  }
0x17: {  	s4 =	simm.s32 $0x1BF5;
	[smem:$0x3FB9] =	sst s0  }
0x18: {  	s0 =	sld [smem:$0x3F9C];
	_ =	swait.ge [sflag:s4], $0x0  }
0x19: {  	s7 =	sld [smem:$0x3F9D]  }
0x1a: {  	s8 =	sadd.s32 $0xFFFFE003, lr  }
0x1b: {  	s9 =	sadd.s32 $0xFFFFFEF7, lr;
	s5 =	simm.s32 $0xFFFFFFFF;
	p2 =	slt.u32 s8, $0xFFFFF086  }
0x1c: {  	p1 =	slt.u32 s9, $0xF7A;
	s5 =	simm.s32 @!p2 $0x0  }
0x1d: {  	s5 =	simm.s32 @p1 $0x1;
	p0 =	seq.s32 s7, s2  }
0x1e: {  	s7 =	smul.u32 @!p0 $0xF7A, s2;
	p2 =	seq.s32 @!p0 s5, $0x0  }
0x1f: {  	s9 =	smul.u32 $0xF7A, s1;
	s8 =	simm.s32 @!p0 $0x1BF5;
	p2 =	por !p2, p0  }
0x20: {  	[sflag:s8] =	ssyncset.s32 @!p0 $0xFFFFF086;
	s6 =	sadd.s32 @!p0 s3, s7;
	s7 =	simm.s32 @!p0 $0x108  }
0x21: {  	s3 =	sadd.s32 s3, s9;
	s6 =	sadd.s32 @!p0 $0x88, s6;
	s7 =	simm.s32 @p2 $0x1082  }
0x22: {  	[simem:s7], [sflag:s8] =	dma.local @!p0 [hbm:s6], $0xF7A  }
0x23: {  	s9 =	sor.u32 $0xD0000000, s2;
	s6 =	simm.s32 $0x108;
	_ =	swait.ge @!p0 [sflag:s8], $0x0  }
0x24: {  	s3 =	sadd.s32 $0x88, s3;
	s6 =	simm.s32 @!p1 $0x1082;
	[sflag:s4] =	ssyncset.s32 $0xFFFFF086  }
0x25: {  	[simem:s6], [sflag:s4] =	dma.local [hbm:s3], $0xF7A  }
0x26: {  	[smem:$0x3F9D] =	sst s1;
	(tag) =	ssettag s2;
	_ =	strace s9  }
0x27: {  	s1 =	sld [smem:$0x3FAD]  }
0x28: {  	s2 =	sld [smem:$0x3FAE]  }
0x29: {  	s4 =	sld [smem:$0x3FB0]  }
0x2a: {  	p0 =	seq.s32 s5, $0x0;
	s5 =	sld [smem:$0x3FB1]  }
0x2b: {  	s6 =	sld [smem:$0x3FB2]  }
0x2c: {  	s7 =	sld [smem:$0x3FB3]  }
0x2d: {  	s3 =	simm.s32 $0x108;
	s8 =	sld [smem:$0x3FB4]  }
0x2e: {  	s3 =	simm.s32 @!p0 $0x1082;
	s9 =	sld [smem:$0x3FB5]  }
0x2f: {  	lr =	sadd.s32 s0, s3;
	s0 =	sld [smem:$0x3FAC]  }
0x30: {  	s3 =	sld [smem:$0x3FAF]  }
0x31: {  	[smem:$0x3FB8] =	sst s10  }
0x32: {  	s10 =	sld [smem:$0x3FB6];
	_ =	sdelay $0x3  }
0x33: {  	p0 =	seq.s32 s10, $0x1;
	s10 =	sld [smem:$0x3FB8];
	_ =	sdelay $0x3  }
0x34: {  	[smem:$0x3FB8] =	sst s10  }
0x35: {  	s10 =	sld [smem:$0x3FB7];
	_ =	sdelay $0x3  }
0x36: {  	p1 =	seq.s32 s10, $0x1;
	s10 =	sld [smem:$0x3FB8];
	_ =	sdelay $0x3  }
0x37: {  	[smem:$0x3FB8] =	sst s10  }
0x38: {  	s10 =	sld [smem:$0x3FB9]  }
0x39: {  	_ = 	snop;
	(pc) =	sbr.ind lr, $3  }
0x3a: {  	_ = 	snop  }
0x3b: {  	_ = 	snop  }
0x3c: {  	p2 =	seq.s32 s10, $0x1;
	s10 =	sld [smem:$0x3FB8]  }
0x3d: {  	_ =	shalt  }
0x3e: {  	_ =	shalt  }
0x3f: {  	_ =	shalt  }
0x40: {  	_ =	shalt  }
0x41: {  	_ =	shalt  }
0x42: {  	_ =	shalt  }
0x43: {  	_ =	shalt  }
0x44: {  	_ =	shalt  }
0x45: {  	_ =	shalt  }
0x46: {  	_ =	shalt  }
0x47: {  	_ =	shalt  }
0x48: {  	_ =	shalt  }
0x49: {  	_ =	shalt  }
0x4a: {  	_ =	shalt  }
0x4b: {  	_ =	shalt  }
0x4c: {  	_ =	shalt  }
0x4d: {  	_ =	shalt  }
0x4e: {  	_ =	shalt  }
0x4f: {  	_ =	shalt  }
0x50: {  	_ =	shalt  }
0x51: {  	_ =	shalt  }
0x52: {  	_ =	shalt  }
0x53: {  	_ =	shalt  }
0x54: {  	_ =	shalt  }
0x55: {  	_ =	shalt  }
0x56: {  	_ =	shalt  }
0x57: {  	_ =	shalt  }
0x58: {  	_ =	shalt  }
0x59: {  	_ =	shalt  }
0x5a: {  	_ =	shalt  }
0x5b: {  	_ =	shalt  }
0x5c: {  	_ =	shalt  }
0x5d: {  	_ =	shalt  }
0x5e: {  	_ =	shalt  }
0x5f: {  	_ =	shalt  }
0x60: {  	_ =	shalt  }
0x61: {  	_ =	shalt  }
0x62: {  	_ =	shalt  }
0x63: {  	_ =	shalt  }
0x64: {  	_ =	shalt  }
0x65: {  	_ =	shalt  }
0x66: {  	_ =	shalt  }
0x67: {  	_ =	shalt  }
0x68: {  	_ =	shalt  }
0x69: {  	_ =	shalt  }
0x6a: {  	_ =	shalt  }
0x6b: {  	_ =	shalt  }
0x6c: {  	_ =	shalt  }
0x6d: {  	_ =	shalt  }
0x6e: {  	_ =	shalt  }
0x6f: {  	_ =	shalt  }
0x70: {  	_ =	shalt  }
0x71: {  	_ =	shalt  }
0x72: {  	_ =	shalt  }
0x73: {  	_ =	shalt  }
0x74: {  	_ =	shalt  }
0x75: {  	_ =	shalt  }
0x76: {  	_ =	shalt  }
0x77: {  	_ =	shalt  }
0x78: {  	_ =	shalt  }
0x79: {  	_ =	shalt  }
0x7a: {  	_ =	shalt  }
0x7b: {  	_ =	shalt  }
0x7c: {  	_ =	shalt  }
0x7d: {  	_ =	shalt  }
0x7e: {  	_ =	shalt  }
0x7f: {  	_ =	shalt  }
0x80: {  	_ =	shalt  }
0x81: {  	_ =	shalt  }
0x82: {  	_ =	shalt  }
0x83: {  	_ =	shalt  }
0x84: {  	_ =	shalt  }
0x85: {  	_ =	shalt  }
0x86: {  	_ =	shalt  }
0x87: {  	_ =	shalt  }
.Lfunc_end0:
.L_simem_size_0:
called_computation.3_lowered:
.L_overlay_start_0:
0x88: {  	s2 =	sld [smem:$0x3FD9]  }
0x89: {  	s3 =	sld [smem:$0x3FFE];
	_ =	sdelay $0x1  }
0x8a: {  	s1 =	srdreg.scid  }
0x8b: {  	s0 =	sand.u32 $0x1, s1  }
0x8c: {  	s17 =	sshll.u32 s0, $0xA;
	s2 =	sadd.s32 s3, s2  }
0x8d: {  	s2 =	sadd.s32 s2, s17  }
0x8e: {  	[smem:$0x3FC4] =	sst s2  }
0x8f: {  	_ = 	snop  }
0x90: {  	(tm) =	ssettm $0x1  }
0x91: {  	s18 =	sld [smem:$0x3FFB];
	_ =	sdelay $0x3  }
0x92: {  	_ =	strace s18  }
0x93: {  	s2 =	sld [smem:$0x3FFC];
	_ =	sdelay $0x3  }
0x94: {  	_ =	strace s2  }
0x95: {  	s2 =	sld [smem:$0x3FFD];
	_ =	sdelay $0x3  }
0x96: {  	_ =	strace s2  }
0x97: {  	_ =	strace $0x8FFFFFFF  }
0x98: {  	s19 =	sld [smem:$0x3FDB];
	_ =	sdelay $0x1  }
0x99: {  	s20 =	simm.s32 $_scs_section_size  }
0x9a: {  	s4 =	simm.s32 $_size__tile_overlayer_lowered;
	s5 =	simm.s32 $_tile_overlayer_lowered  }
0x9b: {  	s6 =	simm.s32 $0x1BFF;
	s21 =	sshll.u32 s5, $0x1;
	s3 =	sadd.s32 s20, s19  }
0x9c: {  	s22 =	simm.s32 $0x0;
	s4 =	sshll.u32 s4, $0x1;
	s5 =	sadd.s32 s21, s3  }
0x9d: {  	[timem:s22], [sflag:s6] =	dma.local [hbm:s5], s4  }
0x9e: {  	_ =	swait.ge [sflag:s6], s4  }
0x9f: {  	s4 =	ssub.s32 $0x0, s4;
	[sflag:s6] =	ssyncset.done $0x0  }
0xa0: {  	[sflag:s6] =	ssyncadd.s32 s4;
	_ =	sdelay $0x1  }
0xa1: {  	s23 =	simm.s32 $0x1B8B  }
0xa2: {  	_ =	swait.ge [sflag:s23], $0x1  }
0xa3: {  	[sflag:s23] =	ssyncset.done $0x0  }
0xa4: {  	[sflag:s23] =	ssyncadd.s32 $0xFFFFFFFF  }
0xa5: {  	s4 =	sld [smem:$0x0]  }
0xa6: {  	s5 =	sand.u32 $0xFFFFFFFE, s1  }
0xa7: {  	p0 =	sne.s32 s1, s5  }
0xa8: {  	s5 =	sshll.u32 @p0 s5, $0xE  }
0xa9: {  	s5 =	sadd.s32 @p0 $0x11B8D, s5;
	s6 =	sshll.u32 @p0 s4, $0x11  }
0xaa: {  	s5 =	sor.u32 @p0 s6, s5  }
0xab: {  	[sflag:s5] =	ssyncadd.remote.s32 @p0 $0x1;
	_ =	sdelay $0x1  }
0xac: {  	s5 =	simm.s32 @p0 $0x1B8D  }
0xad: {  	_ =	swait.eq @p0 [sflag:s5], $0x1  }
0xae: {  	[sflag:s5] =	ssyncadd.s32 @p0 $0xFFFFFFFF  }
0xaf: {  	s6 =	sshll.u32 @!p0 s1, $0xE  }
0xb0: {  	s6 =	sor.u32 @!p0 $0x4000, s6;
	s5 =	simm.s32 @!p0 $0x1B8D  }
0xb1: {  	s4 =	sshll.u32 @!p0 s4, $0x11;
	s6 =	sadd.s32 @!p0 $0x11B8D, s6;
	_ =	swait.eq @!p0 [sflag:s5], $0x1  }
0xb2: {  	s4 =	sor.u32 @!p0 s4, s6;
	[sflag:s5] =	ssyncadd.s32 @!p0 $0xFFFFFFFF  }
0xb3: {  	s25 =	simm.s32 $0x1B8E;
	s24 =	sld [smem:$0x3FFE];
	[sflag:s4] =	ssyncadd.remote.s32 @!p0 $0x1  }
0xb4: {  	s26 =	simm.s32 $execute0_lowered;
	[smem:$0x3FD2] =	sst s25  }
0xb5: {  	s5 =	sshll.u32 s26, $0x1;
	_ =	strace $0x8000004F;
	[dreg:$0x1] =	wrdreg $0xFFFFFFFF  }
0xb6: {  	s28 =	simm.s32 $_size_execute0_lowered;
	s3 =	sadd.s32 s3, s5;
	[dreg:$0x0] =	wrdreg $0x0  }
0xb7: {  	s5 =	sshll.u32 s28, $0x1;
	[dreg:$0x2] =	wrdreg s3  }
0xb8: {  	[dreg:$0x3] =	wrdreg s5  }
0xb9: {  	[dreg:$0x4] =	wrdreg $0xC0  }
0xba: {  	_ =	task [dreg:s22], $0x5FFFF  }
0xbb: {  	[dreg:$0x1] =	wrdreg $0xFFFFFFFF  }
0xbc: {  	[dreg:$0x0] =	wrdreg $0x60  }
0xbd: {  	[dreg:$0x2] =	wrdreg s24  }
0xbe: {  	[dreg:$0x3] =	wrdreg $0xA  }
0xbf: {  	_ =	task.clear_ibuf [dreg:s22], $0x4FFFF;
	_ =	strace $0x9000004F  }
0xc0: {  	s29 =	simm.s32 $0xA;
	_ =	strace $0x80000051  }
0xc1: {  	_ =	swait.ge [sflag:s29], $0x1  }
0xc2: {  	[sflag:s29] =	ssyncadd.s32 $0xFFFFFFFF  }
0xc3: {  	_ =	strace $0x90000051  }
0xc4: {  	_ =	sfence  }
0xc5: {  	s30 =	sld [smem:$0x0];
	_ =	sdelay $0x2  }
0xc6: {  	s31 =	sshll.u32 s1, $0xD;
	s1 =	sshrl.u32 s1, $0x2  }
0xc7: {  	s4 =	sand.u32 $0x4000, s31;
	s1 =	sadd.s32 s1, s30  }
0xc8: {  	s0 =	sor.u32 s4, s0;
	s1 =	sshll.u32 s1, $0x11  }
0xc9: {  	s0 =	sor.u32 s1, s0  }
0xca: {  	s0 =	sadd.s32 $0x8F2B, s0  }
0xcb: {  	[sflag:s0] =	ssyncadd.remote.s32 $0x1  }
0xcc: {  	_ =	sfence.sel $0xFFFF  }
0xcd: {  	[dreg:$0x0] =	wrdreg $0xFFFFFFFF;
	(pc) =	sbr.abs _section_cstart, $3  }
0xce: {  	[dreg:$0x1] =	wrdreg $0xFFFFFFFF  }
0xcf: {  	_ =	task.clear_ibuf [dreg:s22], $0x2FFFF;
	_ =	strace $0x9FFFFFFF  }
0xd0: {  	(tm) =	ssettm $0x7FFFFFFF  }
0xd1: {  	_ =	shalt  }
tec
execute0_lowered:
.L_overlay_start_1:
0x0: {  	(tag) =	ssettag $0x1  }
0x1: {  	s3 =	rddreg [dreg:$0x0]  }
0x2: {  	s0 =	rddreg [dreg:$0x1]  }
0x3: {  	s4 =	srdreg.scid;
	s2 =	simm.s32 $0x0;
	s1 =	stileid.u32  }
0x4: {  	s10 =	simm.s32 $0x40;
	s11 =	simm.s32 $0x0;
	s4 =	sand.u32 $0x1, s4  }
0x5: {  	[smem:$0x7FF] =	sst s2;
	s5 =	sshll.u32 s1, $0x8;
	s30 =	sshll.u32 s1, $0xC  }
0x6: {  	s6 =	sshll.u32 s4, $0x7;
	_ =	strace $0x80000050;
	s7 =	ssub.s32 $0x2, s4  }
0x7: {  	s4 =	sshll.u32 s4, $0xB;
	s5 =	sor.u32 s6, s5;
	s8 =	sshrl.u32 s7, $0x1  }
0x8: {  	s6 =	sadd.s32 s30, s3;
	s5 =	sshrl.u32 s5, $0x3;
	s31 =	ssub.s32 s7, s8  }
0x9: {  	s6 =	sadd.s32 s4, s6;
	s7 =	simm.s32 $0x2;
	s8 =	simm.s32 $0x80  }
0xa: {  	s9 =	sadd.s32 s5, s3;
	s3 =	sadd.s32 $0xF49C00, s3;
	s4 =	smax.u32 s31, $0x1  }
0xb: {  	s5 =	sadd.s32 $0x197800, s6;
	s6 =	sadd.s32 $0x4600, s9;
	s9 =	simm.s32 $0x1  }
.LBB2_1:
0xc: {  	s12 =	sadd.s32 $0x0, s6  }
0xd: {  	[tilespmem:s2], [sflag:$0x2] =	stream.linear.gather [hbm4b:s12+s2], $0x80, $0x38;
	[tilespmem:$0x2080] =	vst v63  }
0xe: {  	_ =	swait.ge [sflag:s7], $0x80  }
0xf: {  	[sflag:s7] =	ssyncset.done $0x0  }
0x10: {  	[sflag:s7] =	ssyncadd.s32 $0xFFFFFF80  }
0x11: {  	[tilespmem:s8], [sflag:$0x1] =	stream.indirect.gather [hbm4b:s3+s8], $0x40, s2, s8, $0xb8;
	[tilespmem:$0x2080] =	vst v63  }
0x12: {  	_ =	swait.ge [sflag:s9], $0x2000  }
0x13: {  	[sflag:s9] =	ssyncset.done $0x0  }
0x14: {  	[sflag:s9] =	ssyncadd.s32 $0xFFFFE000  }
0x15: {  	[hbm4b:s5+s10] =	stream.strided.scatter [tilespmem:s8], [sflag:$0x2], $0x2000, s8, s10, $0x38;
	[tilespmem:$0x2080] =	vst v63  }
0x16: {  	s13 =	simm.s32 $0x200;
	_ =	swait.ge [sflag:s7], $0x2000  }
0x17: {  	s14 =	simm.s32 $0x400;
	s12 =	sadd.s32 $0x10000, s5;
	[sflag:s7] =	ssyncset.done $0x0  }
.LBB2_2:
0x18: {  	s15 =	sadd.s32 s13, s6  }
0x19: {  	[sflag:s7] =	ssyncadd.s32 $0xFFFFE000;
	s13 =	smov.u32 s14;
	s16 =	sadd.s32 $0x200, s14  }
0x1a: {  	[tilespmem:s2], [sflag:$0x2] =	stream.linear.gather [hbm4b:s15+s2], $0x80, $0x38;
	[tilespmem:$0x2080] =	vst v63  }
0x1b: {  	p0 =	sne.s32 s14, $0x3000;
	_ =	swait.ge [sflag:s7], $0x80  }
0x1c: {  	[sflag:s7] =	ssyncset.done $0x0  }
0x1d: {  	[sflag:s7] =	ssyncadd.s32 $0xFFFFFF80  }
0x1e: {  	[tilespmem:s8], [sflag:$0x1] =	stream.indirect.gather [hbm4b:s3+s8], $0x40, s2, s8, $0xb8;
	[tilespmem:$0x2080] =	vst v63  }
0x1f: {  	_ =	swait.ge [sflag:s9], $0x2000  }
.Ltmp0:
0x20: {  	[sflag:s9] =	ssyncset.done $0x0;
	(pc) =	sbr.rel @p0 .LBB2_2-.Ltmp0, $4  }
0x21: {  	[sflag:s9] =	ssyncadd.s32 $0xFFFFE000  }
0x22: {  	[hbm4b:s12+s10] =	stream.strided.scatter [tilespmem:s8], [sflag:$0x2], $0x2000, s8, s10, $0x38;
	[tilespmem:$0x2080] =	vst v63  }
0x23: {  	_ =	swait.ge [sflag:s7], $0x2000  }
0x24: {  	s14 =	smov.u32 s16;
	s12 =	sadd.s32 $0x10000, s12;
	[sflag:s7] =	ssyncset.done $0x0  }
0x25: {  	s13 =	sadd.s32 s13, s6;
	[sflag:s7] =	ssyncadd.s32 $0xFFFFE000  }
0x26: {  	[tilespmem:s2], [sflag:$0x2] =	stream.linear.gather [hbm4b:s13+s2], $0x80, $0x38;
	[tilespmem:$0x2080] =	vst v63  }
0x27: {  	_ =	swait.ge [sflag:s7], $0x80  }
0x28: {  	[sflag:s7] =	ssyncset.done $0x0  }
0x29: {  	[sflag:s7] =	ssyncadd.s32 $0xFFFFFF80  }
0x2a: {  	[tilespmem:s8], [sflag:$0x1] =	stream.indirect.gather [hbm4b:s3+s8], $0x40, s2, s8, $0xb8;
	[tilespmem:$0x2080] =	vst v63  }
0x2b: {  	s11 =	sadd.s32 $0x1, s11;
	_ =	swait.ge [sflag:s9], $0x2000  }
0x2c: {  	p0 =	sne.s32 s11, s4;
	[sflag:s9] =	ssyncset.done $0x0  }
.Ltmp1:
0x2d: {  	[sflag:s9] =	ssyncadd.s32 $0xFFFFE000;
	(pc) =	sbr.rel @p0 .LBB2_1-.Ltmp1, $4  }
0x2e: {  	[hbm4b:s12+s10] =	stream.strided.scatter [tilespmem:s8], [sflag:$0x2], $0x2000, s8, s10, $0x38;
	[tilespmem:$0x2080] =	vst v63  }
0x2f: {  	_ =	swait.ge [sflag:s7], $0x2000  }
0x30: {  	[sflag:s7] =	ssyncset.done $0x0  }
0x31: {  	[sflag:s7] =	ssyncadd.s32 $0xFFFFE000  }
0x32: {  	_ =	sfence.sel $0x180000  }
0x33: {  	[bflag:$0x0] =	sbarrier.arrive $0xFFFF  }
0x34: {  	p0 =	sne.s32 s1, $0x0;
	_ =	strace $0x90000050  }
0x35: {  	s0 =	sadd.s32 @!p0 $0x100000, s0;
	[bflag:$0x2] =	sbarrier.arrive $0xFFFF  }
0x36: {  	[sflag:s0] =	ssyncadd.tile.s32 @!p0 $0x1;
	_ =	shalt  }
.Lfunc_end2:
_tile_overlayer_lowered:
.L_overlay_start_2:
0x37: {  	(tag) =	ssettag $0x2  }
0x38: {  	s0 =	rddreg [dreg:$0x0];
	s2 =	stileid.u32  }
0x39: {  	s1 =	rddreg [dreg:$0x1];
	p0 =	sne.s32 s2, $0x0  }
0x3a: {  	s3 =	rddreg [dreg:$0x2];
	[bflag:$0x3] =	sbarrier.arrive $0xFFFF;
	s2 =	simm.s32 @!p0 $0x1C02  }
0x3b: {  	[timem:s3], [sflag:s2] =	dma.local @!p0 [hbm:s0], s1  }
0x3c: {  	s0 =	simm.s32 @!p0 $0x2  }
0x3d: {  	_ =	swait.ge @!p0 [sflag:s0], s1  }
0x3e: {  	s1 =	ssub.s32 @!p0 $0x0, s1;
	[sflag:s0] =	ssyncset.done @!p0 $0x0  }
0x3f: {  	[sflag:s0] =	ssyncadd.s32 @!p0 s1  }
0x40: {  	[bflag:$0x3] =	sbarrier.arrive $0xFFFF  }
0x41: {  	_ =	shalt  }

// kernel: _pipeline.7.cloned.1.call-start
scs
__scs_entry_jumppad:
0x0: {  	(pc) =	sbr.rel $0x88, $3  }
0x1: {  	(tag) =	ssettag $0x0;
	lr =	simm.s32 $0x1  }
0x2: {  	[smem:$0x3F9D] =	sst lr;
	_ =	strace $0xD0000000  }
0x3: {  	_ = 	snop  }
0x4: {  	_ = 	snop  }
0x5: {  	_ = 	snop  }
0x6: {  	_ = 	snop  }
0x7: {  	_ = 	snop  }
__scs_overlays_trampoline_lowered:
0x8: {  	[smem:$0x3FAC] =	sst s0  }
0x9: {  	[smem:$0x3FAD] =	sst s1  }
0xa: {  	[smem:$0x3FAE] =	sst s2  }
0xb: {  	[smem:$0x3FAF] =	sst s3  }
0xc: {  	[smem:$0x3FB0] =	sst s4  }
0xd: {  	[smem:$0x3FB1] =	sst s5  }
0xe: {  	[smem:$0x3FB2] =	sst s6  }
0xf: {  	[smem:$0x3FB3] =	sst s7  }
0x10: {  	[smem:$0x3FB4] =	sst s8  }
0x11: {  	[smem:$0x3FB5] =	sst s9;
	s0 =	simm.s32 @!p0 $0x0  }
0x12: {  	s1 =	sld [smem:$0x3F9B];
	s0 =	simm.s32 @p0 $0x1  }
0x13: {  	[smem:$0x3FB6] =	sst s0;
	s0 =	simm.s32 @!p1 $0x0  }
0x14: {  	s2 =	sld [smem:$0x3F9A];
	s0 =	simm.s32 @p1 $0x1  }
0x15: {  	[smem:$0x3FB7] =	sst s0;
	s0 =	simm.s32 @!p2 $0x0  }
0x16: {  	s3 =	sld [smem:$0x3FDB];
	s0 =	simm.s32 @p2 $0x1  }
0x17: {  	s4 =	simm.s32 $0x1BF5;
	[smem:$0x3FB9] =	sst s0  }
0x18: {  	s0 =	sld [smem:$0x3F9C];
	_ =	swait.ge [sflag:s4], $0x0  }
0x19: {  	s7 =	sld [smem:$0x3F9D]  }
0x1a: {  	s8 =	sadd.s32 $0xFFFFE003, lr  }
0x1b: {  	s9 =	sadd.s32 $0xFFFFFEF7, lr;
	s5 =	simm.s32 $0xFFFFFFFF;
	p2 =	slt.u32 s8, $0xFFFFF086  }
0x1c: {  	p1 =	slt.u32 s9, $0xF7A;
	s5 =	simm.s32 @!p2 $0x0  }
0x1d: {  	s5 =	simm.s32 @p1 $0x1;
	p0 =	seq.s32 s7, s2  }
0x1e: {  	s7 =	smul.u32 @!p0 $0xF7A, s2;
	p2 =	seq.s32 @!p0 s5, $0x0  }
0x1f: {  	s9 =	smul.u32 $0xF7A, s1;
	s8 =	simm.s32 @!p0 $0x1BF5;
	p2 =	por !p2, p0  }
0x20: {  	[sflag:s8] =	ssyncset.s32 @!p0 $0xFFFFF086;
	s6 =	sadd.s32 @!p0 s3, s7;
	s7 =	simm.s32 @!p0 $0x108  }
0x21: {  	s3 =	sadd.s32 s3, s9;
	s6 =	sadd.s32 @!p0 $0x88, s6;
	s7 =	simm.s32 @p2 $0x1082  }
0x22: {  	[simem:s7], [sflag:s8] =	dma.local @!p0 [hbm:s6], $0xF7A  }
0x23: {  	s9 =	sor.u32 $0xD0000000, s2;
	s6 =	simm.s32 $0x108;
	_ =	swait.ge @!p0 [sflag:s8], $0x0  }
0x24: {  	s3 =	sadd.s32 $0x88, s3;
	s6 =	simm.s32 @!p1 $0x1082;
	[sflag:s4] =	ssyncset.s32 $0xFFFFF086  }
0x25: {  	[simem:s6], [sflag:s4] =	dma.local [hbm:s3], $0xF7A  }
0x26: {  	[smem:$0x3F9D] =	sst s1;
	(tag) =	ssettag s2;
	_ =	strace s9  }
0x27: {  	s1 =	sld [smem:$0x3FAD]  }
0x28: {  	s2 =	sld [smem:$0x3FAE]  }
0x29: {  	s4 =	sld [smem:$0x3FB0]  }
0x2a: {  	p0 =	seq.s32 s5, $0x0;
	s5 =	sld [smem:$0x3FB1]  }
0x2b: {  	s6 =	sld [smem:$0x3FB2]  }
0x2c: {  	s7 =	sld [smem:$0x3FB3]  }
0x2d: {  	s3 =	simm.s32 $0x108;
	s8 =	sld [smem:$0x3FB4]  }
0x2e: {  	s3 =	simm.s32 @!p0 $0x1082;
	s9 =	sld [smem:$0x3FB5]  }
0x2f: {  	lr =	sadd.s32 s0, s3;
	s0 =	sld [smem:$0x3FAC]  }
0x30: {  	s3 =	sld [smem:$0x3FAF]  }
0x31: {  	[smem:$0x3FB8] =	sst s10  }
0x32: {  	s10 =	sld [smem:$0x3FB6];
	_ =	sdelay $0x3  }
0x33: {  	p0 =	seq.s32 s10, $0x1;
	s10 =	sld [smem:$0x3FB8];
	_ =	sdelay $0x3  }
0x34: {  	[smem:$0x3FB8] =	sst s10  }
0x35: {  	s10 =	sld [smem:$0x3FB7];
	_ =	sdelay $0x3  }
0x36: {  	p1 =	seq.s32 s10, $0x1;
	s10 =	sld [smem:$0x3FB8];
	_ =	sdelay $0x3  }
0x37: {  	[smem:$0x3FB8] =	sst s10  }
0x38: {  	s10 =	sld [smem:$0x3FB9]  }
0x39: {  	_ = 	snop;
	(pc) =	sbr.ind lr, $3  }
0x3a: {  	_ = 	snop  }
0x3b: {  	_ = 	snop  }
0x3c: {  	p2 =	seq.s32 s10, $0x1;
	s10 =	sld [smem:$0x3FB8]  }
0x3d: {  	_ =	shalt  }
0x3e: {  	_ =	shalt  }
0x3f: {  	_ =	shalt  }
0x40: {  	_ =	shalt  }
0x41: {  	_ =	shalt  }
0x42: {  	_ =	shalt  }
0x43: {  	_ =	shalt  }
0x44: {  	_ =	shalt  }
0x45: {  	_ =	shalt  }
0x46: {  	_ =	shalt  }
0x47: {  	_ =	shalt  }
0x48: {  	_ =	shalt  }
0x49: {  	_ =	shalt  }
0x4a: {  	_ =	shalt  }
0x4b: {  	_ =	shalt  }
0x4c: {  	_ =	shalt  }
0x4d: {  	_ =	shalt  }
0x4e: {  	_ =	shalt  }
0x4f: {  	_ =	shalt  }
0x50: {  	_ =	shalt  }
0x51: {  	_ =	shalt  }
0x52: {  	_ =	shalt  }
0x53: {  	_ =	shalt  }
0x54: {  	_ =	shalt  }
0x55: {  	_ =	shalt  }
0x56: {  	_ =	shalt  }
0x57: {  	_ =	shalt  }
0x58: {  	_ =	shalt  }
0x59: {  	_ =	shalt  }
0x5a: {  	_ =	shalt  }
0x5b: {  	_ =	shalt  }
0x5c: {  	_ =	shalt  }
0x5d: {  	_ =	shalt  }
0x5e: {  	_ =	shalt  }
0x5f: {  	_ =	shalt  }
0x60: {  	_ =	shalt  }
0x61: {  	_ =	shalt  }
0x62: {  	_ =	shalt  }
0x63: {  	_ =	shalt  }
0x64: {  	_ =	shalt  }
0x65: {  	_ =	shalt  }
0x66: {  	_ =	shalt  }
0x67: {  	_ =	shalt  }
0x68: {  	_ =	shalt  }
0x69: {  	_ =	shalt  }
0x6a: {  	_ =	shalt  }
0x6b: {  	_ =	shalt  }
0x6c: {  	_ =	shalt  }
0x6d: {  	_ =	shalt  }
0x6e: {  	_ =	shalt  }
0x6f: {  	_ =	shalt  }
0x70: {  	_ =	shalt  }
0x71: {  	_ =	shalt  }
0x72: {  	_ =	shalt  }
0x73: {  	_ =	shalt  }
0x74: {  	_ =	shalt  }
0x75: {  	_ =	shalt  }
0x76: {  	_ =	shalt  }
0x77: {  	_ =	shalt  }
0x78: {  	_ =	shalt  }
0x79: {  	_ =	shalt  }
0x7a: {  	_ =	shalt  }
0x7b: {  	_ =	shalt  }
0x7c: {  	_ =	shalt  }
0x7d: {  	_ =	shalt  }
0x7e: {  	_ =	shalt  }
0x7f: {  	_ =	shalt  }
0x80: {  	_ =	shalt  }
0x81: {  	_ =	shalt  }
0x82: {  	_ =	shalt  }
0x83: {  	_ =	shalt  }
0x84: {  	_ =	shalt  }
0x85: {  	_ =	shalt  }
0x86: {  	_ =	shalt  }
0x87: {  	_ =	shalt  }
.Lfunc_end0:
.L_simem_size_0:
called_computation.1_lowered:
.L_overlay_start_0:
0x88: {  	s2 =	sld [smem:$0x3FD9]  }
0x89: {  	s3 =	sld [smem:$0x3FFE];
	_ =	sdelay $0x1  }
0x8a: {  	s1 =	srdreg.scid  }
0x8b: {  	s0 =	sand.u32 $0x1, s1  }
0x8c: {  	s17 =	sshll.u32 s0, $0xA;
	s2 =	sadd.s32 s3, s2  }
0x8d: {  	s2 =	sadd.s32 s2, s17  }
0x8e: {  	[smem:$0x3FC4] =	sst s2  }
0x8f: {  	_ = 	snop  }
0x90: {  	s2 =	sld [smem:$0x3FD0];
	(tm) =	ssettm $0x1  }
0x91: {  	s18 =	sld [smem:$0x3FFB];
	_ =	sdelay $0x3  }
0x92: {  	_ =	strace s18  }
0x93: {  	s3 =	sld [smem:$0x3FFC];
	_ =	sdelay $0x3  }
0x94: {  	_ =	strace s3  }
0x95: {  	s3 =	sld [smem:$0x3FFD];
	_ =	sdelay $0x3  }
0x96: {  	_ =	strace s3  }
0x97: {  	_ =	strace $0x8FFFFFFF  }
0x98: {  	s19 =	sld [smem:$0x3FDB];
	_ =	sdelay $0x1  }
0x99: {  	s4 =	simm.s32 $_scs_section_size  }
0x9a: {  	s5 =	simm.s32 $_size__tile_overlayer_lowered;
	s6 =	simm.s32 $_tile_overlayer_lowered  }
0x9b: {  	s22 =	simm.s32 $0x1BFF;
	s21 =	sshll.u32 s6, $0x1;
	s3 =	sadd.s32 s4, s19  }
0x9c: {  	s7 =	simm.s32 $0x0;
	s20 =	sshll.u32 s5, $0x1;
	s5 =	sadd.s32 s21, s3  }
0x9d: {  	[timem:s7], [sflag:s22] =	dma.local [hbm:s5], s20  }
0x9e: {  	_ =	swait.ge [sflag:s22], s20  }
0x9f: {  	s4 =	ssub.s32 $0x0, s20;
	[sflag:s22] =	ssyncset.done $0x0  }
0xa0: {  	[sflag:s22] =	ssyncadd.s32 s4;
	_ =	sdelay $0x1  }
0xa1: {  	s23 =	simm.s32 $0x1B8B  }
0xa2: {  	_ =	swait.ge [sflag:s23], $0x1  }
0xa3: {  	[sflag:s23] =	ssyncset.done $0x0  }
0xa4: {  	s25 =	simm.s32 $0x1B8E;
	s24 =	sld [smem:$0x3FFE];
	[sflag:s23] =	ssyncadd.s32 $0xFFFFFFFF  }
0xa5: {  	s26 =	simm.s32 $execute0_lowered;
	[smem:$0x3FD2] =	sst s25  }
0xa6: {  	s5 =	sshll.u32 s26, $0x1;
	_ =	strace $0x80000049;
	[dreg:$0x1] =	wrdreg $0xFFFFFFFF  }
0xa7: {  	s28 =	simm.s32 $_size_execute0_lowered;
	s3 =	sadd.s32 s3, s5;
	[dreg:$0x0] =	wrdreg $0x0  }
0xa8: {  	s5 =	sshll.u32 s28, $0x1;
	[dreg:$0x2] =	wrdreg s3  }
0xa9: {  	[dreg:$0x3] =	wrdreg s5  }
0xaa: {  	[dreg:$0x4] =	wrdreg $0xC0  }
0xab: {  	_ =	task [dreg:s7], $0x5FFFF  }
0xac: {  	[dreg:$0x1] =	wrdreg $0xFFFFFFFF  }
0xad: {  	[dreg:$0x0] =	wrdreg $0x60  }
0xae: {  	[dreg:$0x2] =	wrdreg s24  }
0xaf: {  	[dreg:$0x3] =	wrdreg s2  }
0xb0: {  	[dreg:$0x4] =	wrdreg $0x9  }
0xb1: {  	_ =	task.clear_ibuf [dreg:s7], $0x5FFFF;
	_ =	strace $0x90000049  }
0xb2: {  	s29 =	simm.s32 $0x9;
	_ =	strace $0x8000004B  }
0xb3: {  	_ =	swait.ge [sflag:s29], $0x1  }
0xb4: {  	[sflag:s29] =	ssyncadd.s32 $0xFFFFFFFF  }
0xb5: {  	_ =	strace $0x9000004B  }
0xb6: {  	_ =	sfence  }
0xb7: {  	s30 =	sld [smem:$0x0];
	_ =	sdelay $0x2  }
0xb8: {  	s31 =	sshll.u32 s1, $0xD;
	s1 =	sshrl.u32 s1, $0x2  }
0xb9: {  	s3 =	sand.u32 $0x4000, s31;
	s1 =	sadd.s32 s1, s30  }
0xba: {  	s0 =	sor.u32 s3, s0;
	s1 =	sshll.u32 s1, $0x11  }
0xbb: {  	s0 =	sor.u32 s1, s0  }
0xbc: {  	s0 =	sadd.s32 $0x8F2B, s0  }
0xbd: {  	[sflag:s0] =	ssyncadd.remote.s32 $0x1  }
0xbe: {  	_ =	sfence.sel $0xFFFF  }
0xbf: {  	[dreg:$0x0] =	wrdreg $0xFFFFFFFF;
	(pc) =	sbr.abs _section_cstart, $3  }
0xc0: {  	[dreg:$0x1] =	wrdreg $0xFFFFFFFF  }
0xc1: {  	_ =	task.clear_ibuf [dreg:s7], $0x2FFFF;
	_ =	strace $0x9FFFFFFF  }
0xc2: {  	(tm) =	ssettm $0x7FFFFFFF  }
0xc3: {  	_ =	shalt  }
tec
execute0_lowered:
.L_overlay_start_1:
0x0: {  	(tag) =	ssettag $0x1  }
0x1: {  	s0 =	rddreg [dreg:$0x0]  }
0x2: {  	s1 =	rddreg [dreg:$0x1]  }
0x3: {  	s3 =	stileid.u32;
	s2 =	srdreg.scid  }
0x4: {  	v0 =	vimm.s32 $0xECA86420;
	s6 =	simm.s32 $0x0;
	s3 =	smul.u32 $0x640, s3;
	s2 =	sand.u32 $0x1, s2  }
0x5: {  	vm0 =	vcmask $0xB08;
	vm1 =	vcmask $0x1310;
	vm2 =	vcmask $0x1B18;
	[smem:$0x7FF] =	sst s6;
	s4 =	ssub.s32 $0x2, s2;
	s2 =	smul.u32 $0x320, s2  }
0x6: {  	vm3 =	vcmask $0x300;
	vm4 =	vcmask $0x2320;
	vm5 =	vcmask $0x2B28;
	s0 =	sadd.s32 s3, s0;
	s5 =	sshrl.u32 s4, $0x1;
	s31 =	sadd.s32 s3, s1  }
0x7: {  	vm6 =	vcmask $0x3330;
	vm7 =	vcmask $0x3B38;
	v1 =	vlaneseq.u32;
	s4 =	ssub.s32 s4, s5;
	s0 =	sadd.s32 s2, s0;
	s2 =	sadd.s32 s2, s31  }
0x8: {  	vm8 =	vmmov $0xff;
	vm11 =	vcmask $0x704;
	v0 =	vunpack.c.l.s4.s8 v0;
	_ =	strace $0x8000004A;
	s4 =	smax.u32 s4, $0x1;
	[dreg:$0xf] =	wrdreg s2  }
0x9: {  	vm9 =	vcmask $0xF0C;
	vm10 =	vcmask $0x1714;
	vm15 =	vcmask $0x2724;
	[dreg:$0xd] =	wrdreg s4;
	s4 =	sadd.s32 $0x1400, s0  }
0xa: {  	vm14 =	vcmask $0x2F2C;
	v2 =	vmul.u32 $0x2, v1;
	v0 =	vunpack.c.0.s8.s32 v0;
	s1 =	simm.s32 $0x0;
	s5 =	simm.s32 $0x1;
	[dreg:$0xe] =	wrdreg s4  }
.LBB2_1:
0xb: {  	[dreg:$0x10] =	wrdreg s1;
	s0 =	simm.s32 $0x8;
	s31 =	sadd.s32 $0x0, s4  }
0xc: {  	[tilespmem:s0], [sflag:$0x1] =	stream.linear.gather [hbm4b:s31+s6], $0x80, $0x38;
	[tilespmem:$0x3208] =	vst v63  }
0xd: {  	_ =	swait.ge [sflag:s5], $0x80  }
0xe: {  	s1 =	simm.s32 $0x10;
	s2 =	simm.s32 $0x88;
	[sflag:s5] =	ssyncset.done $0x0  }
.LBB2_2:
0xf: {  	s3 =	sadd.s32 s1, s4  }
0x10: {  	s22 =	simm.s32 $0x0;
	[sflag:s5] =	ssyncadd.s32 $0xFFFFFF80;
	p0 =	sne.s32 s1, $0x310  }
0x11: {  	[tilespmem:s2], [sflag:$0x1] =	stream.linear.gather [hbm4b:s3+s22], $0x80, $0x38;
	[tilespmem:$0x3208] =	vst v63  }
.Ltmp0:
0x12: {  	_ = 	snop;
	(pc) =	sbr.rel @p0 .LBB2_2-.Ltmp0, $4  }
0x13: {  	_ = 	snop  }
0x14: {  	s1 =	sadd.s32 $0x10, s1  }
0x15: {  	_ =	swait.ge [sflag:s5], $0x80  }
0x16: {  	s2 =	sadd.s32 $0x80, s2;
	[sflag:s5] =	ssyncset.done $0x0  }
0x17: {  	[sflag:s5] =	ssyncadd.s32 $0xFFFFFF80  }
0x18: {  	v3 =	vld [tilespmem:s0+$0x0]  }
0x19: {  	v4 =	vld [tilespmem:s0+$0xFFFFFFFF];
	_ =	sdelay $0x4  }
0x1a: {  	v3 =	vmul.u32 $0x8DD9, v3;
	v4 =	vmul.u32 $0x6A37, v4;
	_ =	sdelay $0x1  }
0x1b: {  	v3 =	vxor.u32 v3, v4  }
0x1c: {  	(v2sf) =	vpush v3, $0x5;
	_ =	sdelay $0x1  }
0x1d: {  	(v2sf) =	vpush v3, $0x1  }
0x1e: {  	(v2sf) =	vpush v3, $0x0;
	_ =	sdelay $0x1  }
0x1f: {  	(v2sf) =	vpush v3, $0x7;
	_ =	sdelay $0x1  }
0x20: {  	(v2sf) =	vpush v3, $0x2  }
0x21: {  	(v2sf) =	vpush v3, $0x3;
	_ =	sdelay $0x1  }
0x22: {  	(v2sf) =	vpush v3, $0xD;
	_ =	sdelay $0x2  }
0x23: {  	(v2sf) =	vpush v3, $0x4  }
0x24: {  	(v2sf) =	vpush v3, $0x9  }
0x25: {  	s19 =	spop (v2sf)  }
0x26: {  	s1 =	smulhi.u32 $0x431BE2E9, s19;
	s0 =	sshra.s32 s19, $0x1F  }
0x27: {  	(v2sf) =	vpush v3, $0xA;
	s2 =	spop (v2sf);
	s0 =	smul.u32 $0x431BE2E9, s0  }
0x28: {  	s3 =	spop (v2sf);
	s8 =	smulhi.u32 $0x431BE2E9, s2  }
0x29: {  	(v2sf) =	vpush v3, $0xC;
	s2 =	sshra.s32 s2, $0x1F;
	s4 =	smulhi.u32 $0x431BE2E9, s3  }
0x2a: {  	(v2sf) =	vpush v3, $0x8;
	s20 =	spop (v2sf);
	s2 =	smul.u32 $0x431BE2E9, s2  }
0x2b: {  	s3 =	sshra.s32 s3, $0x1F;
	s6 =	smulhi.u32 $0x431BE2E9, s20  }
0x2c: {  	s7 =	spop (v2sf);
	s3 =	smul.u32 $0x431BE2E9, s3;
	s5 =	sshra.s32 s20, $0x1F  }
0x2d: {  	s9 =	spop (v2sf);
	s5 =	smul.u32 $0x431BE2E9, s5  }
0x2e: {  	(v2sf) =	vpush v3, $0xB;
	s14 =	sshra.s32 s7, $0x1F;
	s19 =	smulhi.u32 $0x431BE2E9, s9  }
0x2f: {  	(v2sf) =	vpush v3, $0xE;
	s10 =	spop (v2sf);
	s21 =	smul.u32 $0x431BE2E9, s14  }
0x30: {  	s2 =	sadd.s32 s2, s8;
	s9 =	sshra.s32 s9, $0x1F;
	s11 =	smulhi.u32 $0x431BE2E9, s10  }
0x31: {  	s3 =	sadd.s32 s3, s4;
	s10 =	sshra.s32 s10, $0x1F;
	s9 =	smul.u32 $0x431BE2E9, s9  }
0x32: {  	s14 =	sadd.s32 s0, s1;
	s12 =	spop (v2sf);
	s10 =	smul.u32 $0x431BE2E9, s10  }
0x33: {  	(v2sf) =	vpush v3, $0x6;
	s31 =	sshrl.u32 s3, $0x1F;
	s13 =	spop (v2sf);
	s25 =	smulhi.u32 $0x431BE2E9, s12  }
0x34: {  	s24 =	sshra.s32 s3, $0x12;
	s12 =	sshra.s32 s12, $0x1F;
	s15 =	smulhi.u32 $0x431BE2E9, s13  }
0x35: {  	(v2sf) =	vpush v3, $0xF;
	[dreg:$0x11] =	wrdreg s24;
	s13 =	sshra.s32 s13, $0x1F;
	s8 =	smul.u32 $0x431BE2E9, s12  }
0x36: {  	s16 =	spop (v2sf);
	s12 =	smulhi.u32 $0x431BE2E9, s7;
	s28 =	sadd.s32 s9, s19  }
0x37: {  	s19 =	sshrl.u32 s2, $0x1F;
	s7 =	sshra.s32 s2, $0x12;
	s13 =	smul.u32 $0x431BE2E9, s13  }
0x38: {  	s18 =	smulhi.u32 $0x431BE2E9, s16;
	s20 =	spop (v2sf);
	s11 =	sadd.s32 s10, s11  }
0x39: {  	[dreg:$0x12] =	wrdreg s19;
	s4 =	sshra.s32 s16, $0x1F;
	s26 =	spop (v2sf)  }
0x3a: {  	s30 =	sadd.s32 s21, s12;
	s21 =	sshra.s32 s2, $0x1F;
	s9 =	sadd.s32 s13, s15  }
0x3b: {  	s15 =	sadd.s32 s5, s6;
	s16 =	sshra.s32 s26, $0x1F;
	s5 =	smulhi.u32 $0x431BE2E9, s20  }
0x3c: {  	[dreg:$0xa] =	wrdreg s21;
	s6 =	sshrl.u32 s11, $0x1F;
	s19 =	smul.u32 $0x431BE2E9, s16  }
0x3d: {  	s12 =	sshra.s32 s20, $0x1F;
	[dreg:$0x6] =	wrdreg s6;
	s29 =	spop (v2sf)  }
0x3e: {  	s20 =	sshra.s32 s15, $0x1F;
	s23 =	smulhi.u32 $0x431BE2E9, s29;
	s1 =	spop (v2sf)  }
0x3f: {  	v4 =	vmov s31;
	s31 =	sshra.s32 s28, $0x12;
	v5 =	vmov s20;
	s20 =	rddreg [dreg:$0x11];
	s17 =	smulhi.u32 $0x431BE2E9, s1  }
0x40: {  	s13 =	sshra.s32 s29, $0x1F;
	s0 =	sshra.s32 s1, $0x1F;
	s1 =	smul.u32 $0x431BE2E9, s4  }
0x41: {  	v5 =	vsel vm3, s20, v5;
	s20 =	simm.s32 $0x1908;
	s29 =	sshra.s32 s14, $0x12;
	s6 =	smul.u32 $0x431BE2E9, s13  }
0x42: {  	s10 =	spop (v2sf);
	s13 =	simm.s32 $0x18;
	s0 =	smul.u32 $0x431BE2E9, s0  }
0x43: {  	s24 =	smulhi.u32 $0x431BE2E9, s10;
	s18 =	sadd.s32 s1, s18;
	s1 =	sadd.s32 s8, s25  }
0x44: {  	s8 =	smulhi.u32 $0x431BE2E9, s26;
	s21 =	sadd.s32 s0, s17;
	s0 =	spop (v2sf)  }
0x45: {  	s4 =	sshra.s32 s10, $0x1F;
	s17 =	smulhi.u32 $0x431BE2E9, s0;
	s16 =	sshra.s32 s0, $0x1F  }
0x46: {  	s10 =	sadd.s32 s19, s8;
	s0 =	sshrl.u32 s9, $0x1F;
	s19 =	sshra.s32 s9, $0x12  }
0x47: {  	s9 =	smul.u32 $0x431BE2E9, s12;
	s8 =	sshrl.u32 s21, $0x1F;
	s12 =	rddreg [dreg:$0x12]  }
0x48: {  	s26 =	sshra.s32 s11, $0x12;
	s11 =	simm.s32 $0x10;
	[dreg:$0x8] =	wrdreg s8  }
0x49: {  	v4 =	vnsel vm3, $0x0, v4;
	s25 =	sshrl.u32 s14, $0x1F;
	s2 =	sshra.s32 s1, $0x12;
	[dreg:$0x9] =	wrdreg s17  }
0x4a: {  	v4 =	vsel vm0, s12, v4;
	s17 =	sshra.s32 s3, $0x1F;
	s3 =	smul.u32 $0x431BE2E9, s16;
	s16 =	sshrl.u32 s30, $0x1F  }
0x4b: {  	s8 =	sshra.s32 s28, $0x1F;
	s12 =	simm.s32 $0x1908;
	v4 =	vsel vm1, s16, v4;
	v5 =	vsel vm11, s17, v5;
	s16 =	sshra.s32 s30, $0x1F  }
.LBB2_4:
0x4c: {  	s4 =	smul.u32 $0x431BE2E9, s4;
	v5 =	vsel vm0, s7, v5;
	s17 =	rddreg [dreg:$0xa]  }
0x4d: {  	s5 =	sadd.s32 s9, s5;
	s9 =	sshrl.u32 s28, $0x1F;
	v5 =	vsel vm9, s17, v5;
	s17 =	sshra.s32 s30, $0x12  }
0x4e: {  	vm12 =	vcmask $0x1F1C;
	s6 =	sadd.s32 s6, s23;
	s23 =	sshrl.u32 s10, $0x1F;
	v4 =	vsel vm2, s9, v4;
	s9 =	sshrl.u32 s1, $0x1F;
	v5 =	vsel vm1, s17, v5  }
0x4f: {  	s28 =	sshra.s32 s5, $0x12;
	v6 =	vmov s23;
	s5 =	sshrl.u32 s5, $0x1F;
	v4 =	vsel vm4, s9, v4;
	v5 =	vsel vm10, s16, v5  }
0x50: {  	s4 =	sadd.s32 s4, s24;
	s24 =	sshrl.u32 s18, $0x1F;
	v6 =	vsel vm0, s0, v6;
	v7 =	vmov s28;
	v8 =	vmov s5  }
0x51: {  	s9 =	sshra.s32 s10, $0x12;
	s5 =	rddreg [dreg:$0x6];
	v4 =	vsel vm5, s25, v4;
	v5 =	vsel vm2, s31, v5;
	v6 =	vsel vm1, s24, v6  }
0x52: {  	s7 =	smov.u32 s11;
	s25 =	sshrl.u32 s4, $0x1F;
	v9 =	vmov s9;
	v7 =	vsel vm0, s26, v7;
	v8 =	vsel vm0, s5, v8  }
0x53: {  	s1 =	sshra.s32 s1, $0x1F;
	s23 =	rddreg [dreg:$0x9];
	s17 =	sshra.s32 s21, $0x12;
	v4 =	vsel vm6, s25, v4;
	v5 =	vsel vm12, s8, v5;
	v9 =	vsel vm0, s19, v9  }
0x54: {  	s3 =	sadd.s32 s3, s23;
	s16 =	sshrl.u32 s15, $0x1F;
	s24 =	sshrl.u32 s6, $0x1F;
	v7 =	vsel vm1, s17, v7;
	vm12 =	vcmask $0x3734;
	v5 =	vsel vm4, s2, v5  }
0x55: {  	s9 =	sshra.s32 s18, $0x12;
	s25 =	sshrl.u32 s3, $0x1F;
	s3 =	sshra.s32 s3, $0x12;
	v6 =	vsel vm2, s24, v6;
	v4 =	vsel vm7, s16, v4;
	v5 =	vsel vm15, s1, v5  }
0x56: {  	s21 =	sshra.s32 s14, $0x1F;
	s14 =	sshra.s32 s6, $0x12;
	v9 =	vsel vm1, s9, v9;
	s16 =	rddreg [dreg:$0x8];
	v7 =	vsel vm2, s3, v7;
	v5 =	vsel vm5, s29, v5  }
0x57: {  	p0 =	sne.s32 s11, $0x18F0;
	s23 =	sadd.s32 $0x10, s11;
	s11 =	sshra.s32 s4, $0x12;
	v8 =	vsel vm1, s16, v8;
	v9 =	vsel vm2, s14, v9;
	v5 =	vsel vm14, s21, v5  }
0x58: {  	s4 =	sshra.s32 s4, $0x1F;
	v8 =	vsel vm2, s25, v8;
	v7 =	vcombine.low v9, v7;
	v5 =	vsel vm6, s11, v5  }
0x59: {  	s17 =	sshra.s32 s15, $0x12;
	v6 =	vcombine.low v6, v8;
	v5 =	vsel vm12, s4, v5  }
0x5a: {  	v4 =	vperm.xlane v4, v2;
	v7 =	vperm.xlane v7, v0;
	v5 =	vsel vm7, s17, v5  }
0x5b: {  	v6 =	vperm.xlane v6, v0;
	v5 =	vperm.xlane v5, v2;
	_ =	sdelay $0x1  }
0x5c: {  	v4 =	vsel vm8, v4, v6;
	v5 =	vsel vm8, v5, v7  }
0x5d: {  	v6 =	vor.u32 s22, v1;
	v4 =	vadd.s32 v4, v5  }
0x5e: {  	v5 =	vmul.u32 $0xC28F5C29, v6;
	v4 =	vmul.u32 $0xF423F, v4  }
0x5f: {  	vm12 =	vmmov vm9  }
0x60: {  	v6 =	vshll.u32 v5, $0x1D;
	v5 =	vshrl.u32 v5, $0x3;
	v3 =	vsub.s32 v3, v4  }
0x61: {  	v4 =	vor.u32 v6, v5;
	vm9 =	vlt.s32 v3, $0x0;
	v5 =	vadd.s32 $0xF423F, v3  }
0x62: {  	vm13 =	vmmov vm10;
	vm10 =	vle.u32 v4, $0x147AE14;
	v3 =	vsel vm9, v5, v3  }
0x63: {  	v3 =	vsel vm10, $0xF423F, v3  }
0x64: {  	[tilespmem:s12+$0x0] =	vst v3  }
0x65: {  	v3 =	vld [tilespmem:s13+$0x0]  }
0x66: {  	v4 =	vld [tilespmem:s13+$0xFFFFFFFF];
	_ =	sdelay $0x4  }
0x67: {  	v3 =	vmul.u32 $0x8DD9, v3;
	v4 =	vmul.u32 $0x6A37, v4;
	_ =	sdelay $0x1  }
0x68: {  	v3 =	vxor.u32 v3, v4  }
0x69: {  	(v2sf) =	vpush v3, $0x5;
	_ =	sdelay $0x1  }
0x6a: {  	(v2sf) =	vpush v3, $0x1  }
0x6b: {  	(v2sf) =	vpush v3, $0x0;
	_ =	sdelay $0x1  }
0x6c: {  	(v2sf) =	vpush v3, $0x7;
	_ =	sdelay $0x1  }
0x6d: {  	(v2sf) =	vpush v3, $0x2  }
0x6e: {  	(v2sf) =	vpush v3, $0x3  }
0x6f: {  	(v2sf) =	vpush v3, $0xD;
	_ =	sdelay $0x2  }
0x70: {  	(v2sf) =	vpush v3, $0x4  }
0x71: {  	(v2sf) =	vpush v3, $0x9;
	_ =	sdelay $0x1  }
0x72: {  	s20 =	sadd.s32 $0x10, s20;
	s21 =	spop (v2sf)  }
0x73: {  	[dreg:$0x4] =	wrdreg s20;
	s6 =	smulhi.u32 $0x431BE2E9, s21;
	s0 =	sshra.s32 s21, $0x1F  }
0x74: {  	s18 =	smov.u32 s7;
	(v2sf) =	vpush v3, $0xA;
	s22 =	spop (v2sf);
	s7 =	smul.u32 $0x431BE2E9, s0  }
0x75: {  	s25 =	spop (v2sf);
	s2 =	smulhi.u32 $0x431BE2E9, s22  }
0x76: {  	s19 =	smov.u32 s20;
	(v2sf) =	vpush v3, $0xC;
	s24 =	sshra.s32 s22, $0x1F;
	s26 =	smulhi.u32 $0x431BE2E9, s25  }
0x77: {  	s20 =	sadd.s32 $0x10, s13;
	s11 =	spop (v2sf);
	s21 =	smul.u32 $0x431BE2E9, s24  }
0x78: {  	[dreg:$0x3] =	wrdreg s20;
	(v2sf) =	vpush v3, $0x8;
	s10 =	sshra.s32 s25, $0x1F;
	s12 =	smulhi.u32 $0x431BE2E9, s11  }
0x79: {  	s4 =	spop (v2sf);
	s8 =	smul.u32 $0x431BE2E9, s10  }
0x7a: {  	(v2sf) =	vpush v3, $0xB;
	s9 =	sshra.s32 s4, $0x1F;
	s13 =	spop (v2sf);
	s4 =	smulhi.u32 $0x431BE2E9, s4  }
0x7b: {  	(v2sf) =	vpush v3, $0xE;
	s20 =	spop (v2sf);
	s9 =	smul.u32 $0x431BE2E9, s9  }
0x7c: {  	[dreg:$0x5] =	wrdreg s18;
	s16 =	smulhi.u32 $0x431BE2E9, s20;
	s14 =	sshra.s32 s20, $0x1F  }
0x7d: {  	[dreg:$0x7] =	wrdreg s19;
	s0 =	sshra.s32 s11, $0x1F;
	s25 =	smul.u32 $0x431BE2E9, s14  }
0x7e: {  	s17 =	spop (v2sf);
	s14 =	sadd.s32 s7, s6;
	s7 =	smulhi.u32 $0x431BE2E9, s13  }
0x7f: {  	(v2sf) =	vpush v3, $0x6;
	s15 =	sshra.s32 s13, $0x1F;
	s22 =	spop (v2sf);
	s10 =	smulhi.u32 $0x431BE2E9, s17  }
0x80: {  	s18 =	sadd.s32 s8, s26;
	s20 =	sshra.s32 s17, $0x1F;
	s5 =	smulhi.u32 $0x431BE2E9, s22  }
0x81: {  	s11 =	sshra.s32 s22, $0x1F;
	s22 =	sadd.s32 s21, s2;
	s21 =	smul.u32 $0x431BE2E9, s15  }
0x82: {  	[dreg:$0xb] =	wrdreg s12;
	s24 =	sshrl.u32 s18, $0x1F;
	s20 =	smul.u32 $0x431BE2E9, s20  }
0x83: {  	(v2sf) =	vpush v3, $0xF;
	s30 =	sadd.s32 s9, s4;
	s12 =	spop (v2sf);
	s19 =	smul.u32 $0x431BE2E9, s11  }
0x84: {  	s3 =	sshra.s32 s18, $0x12;
	s9 =	sshrl.u32 s30, $0x1F;
	s2 =	smulhi.u32 $0x431BE2E9, s12  }
0x85: {  	s26 =	sshrl.u32 s22, $0x1F;
	s13 =	sshra.s32 s22, $0x1F;
	s29 =	spop (v2sf)  }
0x86: {  	s16 =	sadd.s32 s25, s16;
	s25 =	sshrl.u32 s14, $0x1F;
	[dreg:$0xa] =	wrdreg s13  }
0x87: {  	s17 =	spop (v2sf);
	s8 =	sshra.s32 s29, $0x1F;
	s13 =	sshra.s32 s12, $0x1F  }
0x88: {  	s28 =	sadd.s32 s21, s7;
	s19 =	sadd.s32 s19, s5;
	s5 =	smulhi.u32 $0x431BE2E9, s29  }
0x89: {  	v4 =	vmov s24;
	s1 =	sshra.s32 s17, $0x1F;
	s17 =	smulhi.u32 $0x431BE2E9, s17;
	s15 =	spop (v2sf)  }
0x8a: {  	v4 =	vnsel vm3, $0x0, v4;
	s7 =	sshra.s32 s22, $0x12;
	s11 =	smulhi.u32 $0x431BE2E9, s15;
	s12 =	spop (v2sf)  }
0x8b: {  	v4 =	vsel vm0, s26, v4;
	s31 =	sshra.s32 s28, $0x12;
	s26 =	sshra.s32 s12, $0x1F;
	s6 =	smulhi.u32 $0x431BE2E9, s12  }
0x8c: {  	[dreg:$0xc] =	wrdreg s11;
	s11 =	sshra.s32 s18, $0x1F;
	s18 =	sshrl.u32 s16, $0x1F  }
0x8d: {  	s12 =	sshra.s32 s15, $0x1F;
	s15 =	smul.u32 $0x431BE2E9, s26;
	[dreg:$0x6] =	wrdreg s18  }
0x8e: {  	s29 =	sshra.s32 s14, $0x12;
	s18 =	smul.u32 $0x431BE2E9, s0;
	s21 =	spop (v2sf)  }
0x8f: {  	s0 =	sshrl.u32 s19, $0x1F;
	s19 =	sshra.s32 s19, $0x12;
	s24 =	smulhi.u32 $0x431BE2E9, s21  }
0x90: {  	s4 =	sshra.s32 s21, $0x1F;
	s21 =	sadd.s32 s15, s6;
	s6 =	smul.u32 $0x431BE2E9, s13  }
0x91: {  	s15 =	rddreg [dreg:$0xb];
	s13 =	smul.u32 $0x431BE2E9, s1;
	s1 =	sadd.s32 s20, s10  }
0x92: {  	s20 =	rddreg [dreg:$0x4];
	s22 =	spop (v2sf);
	s15 =	sadd.s32 s18, s15  }
0x93: {  	s26 =	smulhi.u32 $0x431BE2E9, s22;
	s22 =	sshra.s32 s22, $0x1F;
	s18 =	sadd.s32 s6, s2  }
0x94: {  	s6 =	smul.u32 $0x431BE2E9, s12;
	s10 =	sadd.s32 s13, s17;
	s13 =	rddreg [dreg:$0x3]  }
.Ltmp1:
0x95: {  	v4 =	vsel vm1, s9, v4;
	s9 =	sshra.s32 s15, $0x1F;
	s12 =	rddreg [dreg:$0x7];
	(pc) =	sbr.rel @p0 .LBB2_4-.Ltmp1, $4  }
0x96: {  	s2 =	sshra.s32 s1, $0x12;
	v5 =	vmov s9;
	[dreg:$0x9] =	wrdreg s26;
	s26 =	sshra.s32 s16, $0x12  }
0x97: {  	s16 =	sshrl.u32 s21, $0x1F;
	v5 =	vsel vm3, s3, v5;
	s3 =	smul.u32 $0x431BE2E9, s22;
	s22 =	rddreg [dreg:$0x5]  }
0x98: {  	s9 =	smul.u32 $0x431BE2E9, s8;
	s8 =	sshra.s32 s28, $0x1F;
	[dreg:$0x8] =	wrdreg s16  }
0x99: {  	vm9 =	vmmov vm12;
	vm10 =	vmmov vm13;
	v5 =	vsel vm11, s11, v5;
	s11 =	smov.u32 s23;
	s23 =	rddreg [dreg:$0xc];
	s16 =	sshra.s32 s30, $0x1F  }
0x9a: {  	v5 =	vsel vm0, s7, v5;
	s11 =	rddreg [dreg:$0xa];
	s13 =	sshra.s32 s30, $0x12;
	s17 =	sshrl.u32 s28, $0x1F  }
0x9b: {  	s20 =	sshrl.u32 s1, $0x1F;
	s5 =	sadd.s32 s9, s5;
	v5 =	vsel vm9, s11, v5;
	s11 =	sshrl.u32 s10, $0x1F;
	v4 =	vsel vm2, s17, v4;
	vm9 =	vcmask $0x1F1C  }
0x9c: {  	s4 =	smul.u32 $0x431BE2E9, s4;
	s30 =	sshra.s32 s5, $0x12;
	v5 =	vsel vm1, s13, v5;
	v6 =	vmov s11;
	v4 =	vsel vm4, s20, v4  }
0x9d: {  	s28 =	sshrl.u32 s18, $0x1F;
	v7 =	vmov s30;
	v5 =	vsel vm10, s16, v5;
	v6 =	vsel vm0, s0, v6  }
0x9e: {  	s17 =	sshra.s32 s21, $0x12;
	s4 =	sadd.s32 s4, s24;
	s13 =	sadd.s32 s6, s23;
	v4 =	vsel vm5, s25, v4;
	v7 =	vsel vm0, s26, v7;
	v5 =	vsel vm2, s31, v5  }
0x9f: {  	s26 =	sshrl.u32 s13, $0x1F;
	v6 =	vsel vm1, s28, v6;
	s31 =	sshrl.u32 s4, $0x1F;
	v7 =	vsel vm1, s17, v7;
	v5 =	vsel vm9, s8, v5  }
0xa0: {  	s21 =	rddreg [dreg:$0x9];
	v4 =	vsel vm6, s31, v4;
	s8 =	sshra.s32 s10, $0x12;
	s10 =	sshrl.u32 s5, $0x1F;
	vm9 =	vcmask $0x3734;
	v6 =	vsel vm2, s26, v6  }
0xa1: {  	s9 =	sshra.s32 s1, $0x1F;
	s16 =	rddreg [dreg:$0x6];
	v5 =	vsel vm4, s2, v5;
	v8 =	vmov s10;
	v9 =	vmov s8  }
0xa2: {  	s3 =	sadd.s32 s3, s21;
	s25 =	rddreg [dreg:$0x8];
	v5 =	vsel vm15, s9, v5;
	v8 =	vsel vm0, s16, v8;
	v9 =	vsel vm0, s19, v9;
	s19 =	sshra.s32 s18, $0x12  }
0xa3: {  	s14 =	sshra.s32 s14, $0x1F;
	s23 =	sshra.s32 s13, $0x12;
	v5 =	vsel vm5, s29, v5;
	v9 =	vsel vm1, s19, v9;
	v8 =	vsel vm1, s25, v8;
	s29 =	sshra.s32 s3, $0x12  }
0xa4: {  	s20 =	sshra.s32 s4, $0x12;
	s28 =	sshrl.u32 s3, $0x1F;
	v5 =	vsel vm14, s14, v5;
	v9 =	vsel vm2, s23, v9;
	v7 =	vsel vm2, s29, v7  }
0xa5: {  	s11 =	sshrl.u32 s15, $0x1F;
	s24 =	sshra.s32 s4, $0x1F;
	v8 =	vsel vm2, s28, v8;
	v5 =	vsel vm6, s20, v5;
	v7 =	vcombine.low v9, v7  }
0xa6: {  	s30 =	sshra.s32 s15, $0x12;
	v4 =	vsel vm7, s11, v4;
	v6 =	vcombine.low v6, v8;
	v5 =	vsel vm9, s24, v5  }
0xa7: {  	v4 =	vperm.xlane v4, v2;
	v5 =	vsel vm7, s30, v5;
	v7 =	vperm.xlane v7, v0  }
0xa8: {  	v6 =	vperm.xlane v6, v0;
	v5 =	vperm.xlane v5, v2;
	_ =	sdelay $0x1  }
0xa9: {  	v4 =	vsel vm8, v4, v6;
	v5 =	vsel vm8, v5, v7  }
0xaa: {  	v60 =	vor.u32 s22, v1;
	v4 =	vadd.s32 v4, v5  }
0xab: {  	v61 =	vmul.u32 $0xC28F5C29, v60;
	v4 =	vmul.u32 $0xF423F, v4;
	_ =	sdelay $0x1  }
0xac: {  	v6 =	vshll.u32 v61, $0x1D;
	v5 =	vshrl.u32 v61, $0x3;
	v3 =	vsub.s32 v3, v4  }
0xad: {  	v62 =	vor.u32 v6, v5;
	vm9 =	vlt.s32 v3, $0x0;
	v63 =	vadd.s32 $0xF423F, v3  }
0xae: {  	vm10 =	vle.u32 v62, $0x147AE14;
	v3 =	vsel vm9, v63, v3  }
0xaf: {  	s6 =	simm.s32 $0x0;
	s2 =	rddreg [dreg:$0xf];
	v3 =	vsel vm10, $0xF423F, v3  }
0xb0: {  	s5 =	simm.s32 $0x1;
	s31 =	sadd.s32 $0x0, s2;
	s3 =	simm.s32 $0x1908;
	[tilespmem:s12+$0x0] =	vst v3  }
0xb1: {  	[hbm4b:s31+s6] =	stream.linear.scatter [tilespmem:s3], [sflag:$0x1], $0x80, $0x38;
	[tilespmem:$0x3208] =	vst v63  }
0xb2: {  	_ =	swait.ge [sflag:s5], $0x80  }
0xb3: {  	s0 =	simm.s32 $0x10;
	[sflag:s5] =	ssyncset.done $0x0  }
.LBB2_6:
0xb4: {  	s1 =	sadd.s32 s0, s2  }
0xb5: {  	[sflag:s5] =	ssyncadd.s32 $0xFFFFFF80;
	s3 =	sadd.s32 $0x80, s3;
	p0 =	sne.s32 s0, $0x310  }
0xb6: {  	[hbm4b:s1+s6] =	stream.linear.scatter [tilespmem:s3], [sflag:$0x1], $0x80, $0x38;
	[tilespmem:$0x3208] =	vst v63  }
.Ltmp2:
0xb7: {  	_ = 	snop;
	(pc) =	sbr.rel @p0 .LBB2_6-.Ltmp2, $4  }
0xb8: {  	_ = 	snop  }
0xb9: {  	s0 =	sadd.s32 $0x10, s0  }
0xba: {  	_ =	swait.ge [sflag:s5], $0x80  }
0xbb: {  	[sflag:s5] =	ssyncset.done $0x0  }
0xbc: {  	s1 =	rddreg [dreg:$0x10]  }
0xbd: {  	s0 =	rddreg [dreg:$0xd];
	s1 =	sadd.s32 $0x1, s1  }
0xbe: {  	p0 =	sne.s32 s1, s0  }
.Ltmp3:
0xbf: {  	_ = 	snop;
	(pc) =	sbr.rel @p0 .LBB2_1-.Ltmp3, $2  }
0xc0: {  	_ =	sdelay $0x2  }
0xc1: {  	[sflag:s5] =	ssyncadd.s32 $0xFFFFFF80;
	s4 =	rddreg [dreg:$0xe];
	vm9 =	vmmov vm12;
	vm10 =	vmmov vm13  }
0xc2: {  	_ =	sfence.sel $0x180000  }
0xc3: {  	[bflag:$0x0] =	sbarrier.arrive $0xFFFF  }
0xc4: {  	_ =	strace $0x9000004A  }
0xc5: {  	s0 =	stileid.u32;
	[bflag:$0x2] =	sbarrier.arrive $0xFFFF  }
0xc6: {  	p0 =	sne.s32 s0, $0x0;
	s0 =	rddreg [dreg:$0x2]  }
0xc7: {  	s0 =	sadd.s32 @!p0 $0x100000, s0  }
0xc8: {  	[sflag:s0] =	ssyncadd.tile.s32 @!p0 $0x1;
	_ =	shalt  }
.Lfunc_end2:
_tile_overlayer_lowered:
.L_overlay_start_2:
0xc9: {  	(tag) =	ssettag $0x2  }
0xca: {  	s0 =	rddreg [dreg:$0x0];
	s2 =	stileid.u32  }
0xcb: {  	s1 =	rddreg [dreg:$0x1];
	p0 =	sne.s32 s2, $0x0  }
0xcc: {  	s3 =	rddreg [dreg:$0x2];
	[bflag:$0x3] =	sbarrier.arrive $0xFFFF;
	s2 =	simm.s32 @!p0 $0x1C01  }
0xcd: {  	[timem:s3], [sflag:s2] =	dma.local @!p0 [hbm:s0], s1  }
0xce: {  	s0 =	simm.s32 @!p0 $0x1  }
0xcf: {  	_ =	swait.ge @!p0 [sflag:s0], s1  }
0xd0: {  	s1 =	ssub.s32 @!p0 $0x0, s1;
	[sflag:s0] =	ssyncset.done @!p0 $0x0  }
0xd1: {  	[sflag:s0] =	ssyncadd.s32 @!p0 s1  }
0xd2: {  	[bflag:$0x3] =	sbarrier.arrive $0xFFFF  }
0xd3: {  	_ =	shalt  }

// kernel: gather_offload_async_start
scs
__scs_entry_jumppad:
0x0: {  	(pc) =	sbr.rel $0x88, $3  }
0x1: {  	(tag) =	ssettag $0x0;
	lr =	simm.s32 $0x1  }
0x2: {  	[smem:$0x3F9D] =	sst lr;
	_ =	strace $0xD0000000  }
0x3: {  	_ = 	snop  }
0x4: {  	_ = 	snop  }
0x5: {  	_ = 	snop  }
0x6: {  	_ = 	snop  }
0x7: {  	_ = 	snop  }
__scs_overlays_trampoline_lowered:
0x8: {  	[smem:$0x3FAC] =	sst s0  }
0x9: {  	[smem:$0x3FAD] =	sst s1  }
0xa: {  	[smem:$0x3FAE] =	sst s2  }
0xb: {  	[smem:$0x3FAF] =	sst s3  }
0xc: {  	[smem:$0x3FB0] =	sst s4  }
0xd: {  	[smem:$0x3FB1] =	sst s5  }
0xe: {  	[smem:$0x3FB2] =	sst s6  }
0xf: {  	[smem:$0x3FB3] =	sst s7  }
0x10: {  	[smem:$0x3FB4] =	sst s8  }
0x11: {  	[smem:$0x3FB5] =	sst s9;
	s0 =	simm.s32 @!p0 $0x0  }
0x12: {  	s1 =	sld [smem:$0x3F9B];
	s0 =	simm.s32 @p0 $0x1  }
0x13: {  	[smem:$0x3FB6] =	sst s0;
	s0 =	simm.s32 @!p1 $0x0  }
0x14: {  	s2 =	sld [smem:$0x3F9A];
	s0 =	simm.s32 @p1 $0x1  }
0x15: {  	[smem:$0x3FB7] =	sst s0;
	s0 =	simm.s32 @!p2 $0x0  }
0x16: {  	s3 =	sld [smem:$0x3FDB];
	s0 =	simm.s32 @p2 $0x1  }
0x17: {  	s4 =	simm.s32 $0x1BF5;
	[smem:$0x3FB9] =	sst s0  }
0x18: {  	s0 =	sld [smem:$0x3F9C];
	_ =	swait.ge [sflag:s4], $0x0  }
0x19: {  	s7 =	sld [smem:$0x3F9D]  }
0x1a: {  	s8 =	sadd.s32 $0xFFFFE003, lr  }
0x1b: {  	s9 =	sadd.s32 $0xFFFFFEF7, lr;
	s5 =	simm.s32 $0xFFFFFFFF;
	p2 =	slt.u32 s8, $0xFFFFF086  }
0x1c: {  	p1 =	slt.u32 s9, $0xF7A;
	s5 =	simm.s32 @!p2 $0x0  }
0x1d: {  	s5 =	simm.s32 @p1 $0x1;
	p0 =	seq.s32 s7, s2  }
0x1e: {  	s7 =	smul.u32 @!p0 $0xF7A, s2;
	p2 =	seq.s32 @!p0 s5, $0x0  }
0x1f: {  	s9 =	smul.u32 $0xF7A, s1;
	s8 =	simm.s32 @!p0 $0x1BF5;
	p2 =	por !p2, p0  }
0x20: {  	[sflag:s8] =	ssyncset.s32 @!p0 $0xFFFFF086;
	s6 =	sadd.s32 @!p0 s3, s7;
	s7 =	simm.s32 @!p0 $0x108  }
0x21: {  	s3 =	sadd.s32 s3, s9;
	s6 =	sadd.s32 @!p0 $0x88, s6;
	s7 =	simm.s32 @p2 $0x1082  }
0x22: {  	[simem:s7], [sflag:s8] =	dma.local @!p0 [hbm:s6], $0xF7A  }
0x23: {  	s9 =	sor.u32 $0xD0000000, s2;
	s6 =	simm.s32 $0x108;
	_ =	swait.ge @!p0 [sflag:s8], $0x0  }
0x24: {  	s3 =	sadd.s32 $0x88, s3;
	s6 =	simm.s32 @!p1 $0x1082;
	[sflag:s4] =	ssyncset.s32 $0xFFFFF086  }
0x25: {  	[simem:s6], [sflag:s4] =	dma.local [hbm:s3], $0xF7A  }
0x26: {  	[smem:$0x3F9D] =	sst s1;
	(tag) =	ssettag s2;
	_ =	strace s9  }
0x27: {  	s1 =	sld [smem:$0x3FAD]  }
0x28: {  	s2 =	sld [smem:$0x3FAE]  }
0x29: {  	s4 =	sld [smem:$0x3FB0]  }
0x2a: {  	p0 =	seq.s32 s5, $0x0;
	s5 =	sld [smem:$0x3FB1]  }
0x2b: {  	s6 =	sld [smem:$0x3FB2]  }
0x2c: {  	s7 =	sld [smem:$0x3FB3]  }
0x2d: {  	s3 =	simm.s32 $0x108;
	s8 =	sld [smem:$0x3FB4]  }
0x2e: {  	s3 =	simm.s32 @!p0 $0x1082;
	s9 =	sld [smem:$0x3FB5]  }
0x2f: {  	lr =	sadd.s32 s0, s3;
	s0 =	sld [smem:$0x3FAC]  }
0x30: {  	s3 =	sld [smem:$0x3FAF]  }
0x31: {  	[smem:$0x3FB8] =	sst s10  }
0x32: {  	s10 =	sld [smem:$0x3FB6];
	_ =	sdelay $0x3  }
0x33: {  	p0 =	seq.s32 s10, $0x1;
	s10 =	sld [smem:$0x3FB8];
	_ =	sdelay $0x3  }
0x34: {  	[smem:$0x3FB8] =	sst s10  }
0x35: {  	s10 =	sld [smem:$0x3FB7];
	_ =	sdelay $0x3  }
0x36: {  	p1 =	seq.s32 s10, $0x1;
	s10 =	sld [smem:$0x3FB8];
	_ =	sdelay $0x3  }
0x37: {  	[smem:$0x3FB8] =	sst s10  }
0x38: {  	s10 =	sld [smem:$0x3FB9]  }
0x39: {  	_ = 	snop;
	(pc) =	sbr.ind lr, $3  }
0x3a: {  	_ = 	snop  }
0x3b: {  	_ = 	snop  }
0x3c: {  	p2 =	seq.s32 s10, $0x1;
	s10 =	sld [smem:$0x3FB8]  }
0x3d: {  	_ =	shalt  }
0x3e: {  	_ =	shalt  }
0x3f: {  	_ =	shalt  }
0x40: {  	_ =	shalt  }
0x41: {  	_ =	shalt  }
0x42: {  	_ =	shalt  }
0x43: {  	_ =	shalt  }
0x44: {  	_ =	shalt  }
0x45: {  	_ =	shalt  }
0x46: {  	_ =	shalt  }
0x47: {  	_ =	shalt  }
0x48: {  	_ =	shalt  }
0x49: {  	_ =	shalt  }
0x4a: {  	_ =	shalt  }
0x4b: {  	_ =	shalt  }
0x4c: {  	_ =	shalt  }
0x4d: {  	_ =	shalt  }
0x4e: {  	_ =	shalt  }
0x4f: {  	_ =	shalt  }
0x50: {  	_ =	shalt  }
0x51: {  	_ =	shalt  }
0x52: {  	_ =	shalt  }
0x53: {  	_ =	shalt  }
0x54: {  	_ =	shalt  }
0x55: {  	_ =	shalt  }
0x56: {  	_ =	shalt  }
0x57: {  	_ =	shalt  }
0x58: {  	_ =	shalt  }
0x59: {  	_ =	shalt  }
0x5a: {  	_ =	shalt  }
0x5b: {  	_ =	shalt  }
0x5c: {  	_ =	shalt  }
0x5d: {  	_ =	shalt  }
0x5e: {  	_ =	shalt  }
0x5f: {  	_ =	shalt  }
0x60: {  	_ =	shalt  }
0x61: {  	_ =	shalt  }
0x62: {  	_ =	shalt  }
0x63: {  	_ =	shalt  }
0x64: {  	_ =	shalt  }
0x65: {  	_ =	shalt  }
0x66: {  	_ =	shalt  }
0x67: {  	_ =	shalt  }
0x68: {  	_ =	shalt  }
0x69: {  	_ =	shalt  }
0x6a: {  	_ =	shalt  }
0x6b: {  	_ =	shalt  }
0x6c: {  	_ =	shalt  }
0x6d: {  	_ =	shalt  }
0x6e: {  	_ =	shalt  }
0x6f: {  	_ =	shalt  }
0x70: {  	_ =	shalt  }
0x71: {  	_ =	shalt  }
0x72: {  	_ =	shalt  }
0x73: {  	_ =	shalt  }
0x74: {  	_ =	shalt  }
0x75: {  	_ =	shalt  }
0x76: {  	_ =	shalt  }
0x77: {  	_ =	shalt  }
0x78: {  	_ =	shalt  }
0x79: {  	_ =	shalt  }
0x7a: {  	_ =	shalt  }
0x7b: {  	_ =	shalt  }
0x7c: {  	_ =	shalt  }
0x7d: {  	_ =	shalt  }
0x7e: {  	_ =	shalt  }
0x7f: {  	_ =	shalt  }
0x80: {  	_ =	shalt  }
0x81: {  	_ =	shalt  }
0x82: {  	_ =	shalt  }
0x83: {  	_ =	shalt  }
0x84: {  	_ =	shalt  }
0x85: {  	_ =	shalt  }
0x86: {  	_ =	shalt  }
0x87: {  	_ =	shalt  }
.Lfunc_end0:
.L_simem_size_0:
called_computation_lowered:
.L_overlay_start_0:
0x88: {  	s2 =	sld [smem:$0x3FD9]  }
0x89: {  	s3 =	sld [smem:$0x3FFE];
	_ =	sdelay $0x1  }
0x8a: {  	s1 =	srdreg.scid  }
0x8b: {  	s0 =	sand.u32 $0x1, s1  }
0x8c: {  	s17 =	sshll.u32 s0, $0xA;
	s2 =	sadd.s32 s3, s2  }
0x8d: {  	s2 =	sadd.s32 s2, s17  }
0x8e: {  	[smem:$0x3FC4] =	sst s2  }
0x8f: {  	_ = 	snop  }
0x90: {  	s2 =	sld [smem:$0x3FC9]  }
0x91: {  	s18 =	sld [smem:$0x3FD0];
	(tm) =	ssettm $0x1  }
0x92: {  	s4 =	sld [smem:$0x3FFB];
	_ =	sdelay $0x3  }
0x93: {  	_ =	strace s4  }
0x94: {  	s4 =	sld [smem:$0x3FFC];
	_ =	sdelay $0x3  }
0x95: {  	_ =	strace s4  }
0x96: {  	s4 =	sld [smem:$0x3FFD];
	_ =	sdelay $0x3  }
0x97: {  	_ =	strace s4  }
0x98: {  	_ =	strace $0x8FFFFFFF  }
0x99: {  	s19 =	sld [smem:$0x3FDB];
	_ =	sdelay $0x1  }
0x9a: {  	s5 =	simm.s32 $_scs_section_size  }
0x9b: {  	s6 =	simm.s32 $_size__tile_overlayer_lowered;
	s7 =	simm.s32 $_tile_overlayer_lowered  }
0x9c: {  	s22 =	simm.s32 $0x1BFF;
	s21 =	sshll.u32 s7, $0x1;
	s4 =	sadd.s32 s5, s19  }
0x9d: {  	s8 =	simm.s32 $0x0;
	s20 =	sshll.u32 s6, $0x1;
	s6 =	sadd.s32 s21, s4  }
0x9e: {  	[timem:s8], [sflag:s22] =	dma.local [hbm:s6], s20  }
0x9f: {  	_ =	swait.ge [sflag:s22], s20  }
0xa0: {  	s5 =	ssub.s32 $0x0, s20;
	[sflag:s22] =	ssyncset.done $0x0  }
0xa1: {  	[sflag:s22] =	ssyncadd.s32 s5;
	_ =	sdelay $0x1  }
0xa2: {  	s23 =	simm.s32 $0x1B8B  }
0xa3: {  	_ =	swait.ge [sflag:s23], $0x1  }
0xa4: {  	[sflag:s23] =	ssyncset.done $0x0  }
0xa5: {  	s25 =	simm.s32 $0x1B8E;
	s24 =	sld [smem:$0x3FFE];
	[sflag:s23] =	ssyncadd.s32 $0xFFFFFFFF  }
0xa6: {  	s26 =	simm.s32 $execute0_lowered;
	[smem:$0x3FD2] =	sst s25  }
0xa7: {  	s6 =	sshll.u32 s26, $0x1;
	_ =	strace $0x80000046;
	[dreg:$0x1] =	wrdreg $0xFFFFFFFF  }
0xa8: {  	s28 =	simm.s32 $_size_execute0_lowered;
	s4 =	sadd.s32 s4, s6;
	[dreg:$0x0] =	wrdreg $0x0  }
0xa9: {  	s6 =	sshll.u32 s28, $0x1;
	[dreg:$0x2] =	wrdreg s4  }
0xaa: {  	[dreg:$0x3] =	wrdreg s6  }
0xab: {  	[dreg:$0x4] =	wrdreg $0xC0  }
0xac: {  	_ =	task [dreg:s8], $0x5FFFF  }
0xad: {  	[dreg:$0x1] =	wrdreg $0xFFFFFFFF  }
0xae: {  	[dreg:$0x0] =	wrdreg $0x60  }
0xaf: {  	[dreg:$0x2] =	wrdreg s2  }
0xb0: {  	[dreg:$0x3] =	wrdreg s18  }
0xb1: {  	[dreg:$0x4] =	wrdreg s24  }
0xb2: {  	[dreg:$0x5] =	wrdreg $0x9  }
0xb3: {  	_ =	task.clear_ibuf [dreg:s8], $0x6FFFF;
	_ =	strace $0x90000046  }
0xb4: {  	s29 =	simm.s32 $0x9;
	_ =	strace $0x80000048  }
0xb5: {  	_ =	swait.ge [sflag:s29], $0x1  }
0xb6: {  	[sflag:s29] =	ssyncadd.s32 $0xFFFFFFFF  }
0xb7: {  	_ =	strace $0x90000048  }
0xb8: {  	_ =	sfence  }
0xb9: {  	s30 =	sld [smem:$0x0];
	_ =	sdelay $0x2  }
0xba: {  	s31 =	sshll.u32 s1, $0xD;
	s1 =	sshrl.u32 s1, $0x2  }
0xbb: {  	s3 =	sand.u32 $0x4000, s31;
	s1 =	sadd.s32 s1, s30  }
0xbc: {  	s0 =	sor.u32 s3, s0;
	s1 =	sshll.u32 s1, $0x11  }
0xbd: {  	s0 =	sor.u32 s1, s0  }
0xbe: {  	s0 =	sadd.s32 $0x8F2B, s0  }
0xbf: {  	[sflag:s0] =	ssyncadd.remote.s32 $0x1  }
0xc0: {  	_ =	sfence.sel $0xFFFF  }
0xc1: {  	[dreg:$0x0] =	wrdreg $0xFFFFFFFF;
	(pc) =	sbr.abs _section_cstart, $3  }
0xc2: {  	[dreg:$0x1] =	wrdreg $0xFFFFFFFF  }
0xc3: {  	_ =	task.clear_ibuf [dreg:s8], $0x2FFFF;
	_ =	strace $0x9FFFFFFF  }
0xc4: {  	(tm) =	ssettm $0x7FFFFFFF  }
0xc5: {  	_ =	shalt  }
tec
execute0_lowered:
.L_overlay_start_1:
0x0: {  	(tag) =	ssettag $0x1  }
0x1: {  	s2 =	rddreg [dreg:$0x0]  }
0x2: {  	s3 =	rddreg [dreg:$0x1]  }
0x3: {  	s0 =	stileid.u32;
	s1 =	srdreg.scid  }
0x4: {  	s8 =	rddreg [dreg:$0x2];
	s9 =	simm.s32 $0x1;
	s10 =	simm.s32 $0x3  }
0x5: {  	s13 =	simm.s32 $0x0;
	s4 =	sand.u32 $0x1, s1;
	s5 =	sshll.u32 s0, $0x1  }
0x6: {  	s12 =	simm.s32 $0x0;
	s1 =	rddreg [dreg:$0x3];
	s6 =	sor.u32 s5, s4  }
0x7: {  	_ =	strace $0x80000047;
	s8 =	sadd.s32 $0x1400, s8;
	s4 =	smul.u32 $0x1400, s6  }
0x8: {  	s5 =	simm.s32 $0x1;
	p0 =	slt.u32 s6, $0x9;
	s6 =	simm.s32 $0x28000  }
.Ltmp0:
0x9: {  	s6 =	simm.s32 @!p0 $0x0;
	s7 =	ssub.s32 $0x32000, s4;
	(pc) =	sbr.rel .LBB2_1-.Ltmp0, $4  }
0xa: {  	s9 =	simm.s32 @!p0 $0x0;
	p0 =	sne.s32 s7, s6;
	s7 =	simm.s32 $0x1  }
0xb: {  	[sflag:s5] =	ssyncpa.u1 $0x0;
	s6 =	simm.s32 $0x2;
	s7 =	simm.s32 @!p0 $0x0  }
0xc: {  	s11 =	smov.u32 s4;
	[sflag:s6] =	ssyncpa.u1 $0x0;
	s7 =	sadd.s32 s9, s7  }
0xd: {  	vm0 =	vmmov $0xffff;
	[sflag:s10] =	ssyncpa.u1 $0x0;
	s10 =	simm.s32 $0x0;
	s9 =	sadd.s32 $0x1, s7  }
.LBB2_4:
0xe: {  	vm1 =	veq.s32 v0, $0x80000000;
	v63 =	vand.u32 $0x3FF, v0;
	v2 =	vand.u32 $0xFF, v2  }
0xf: {  	v0 =	vsel vm1, $0xFFFFFFFF, v63;
	v2 =	vsel vm1, $0xFFFFFFFF, v2  }
0x10: {  	v3 =	vshll.u32 v2, $0xA;
	v4 =	vshll.u32 v0, $0x3  }
0x11: {  	v2 =	vshll.u32 v2, $0x7;
	v3 =	vand.u32 $0xFFFFE000, v3;
	v4 =	vand.u32 $0xFFFFFC00, v4  }
0x12: {  	v2 =	vand.u32 $0x380, v2;
	v3 =	vadd.s32 v4, v3  }
0x13: {  	v0 =	vand.u32 $0x7F, v0;
	v2 =	vor.u32 v2, v3  }
0x14: {  	v0 =	vor.u32 v0, v2;
	_ =	sdelay $0x1  }
0x15: {  	(ifvalue) =	ssetifvalue $0x7FFFFFFF;
	s15 =	sadd.s32 $0x10, s15  }
0x16: {  	[tilespmem:s15], [sflag:$0x1] =	stream.indirect_vreg.gather [hbm4b:s2+s10], $0x1, v1, vm0, $0x4038;
	[tilespmem:$0x5000] =	vst v63  }
0x17: {  	(ifvalue) =	ssetifvalue $0x7FFFFFFF;
	s15 =	sadd.s32 $0x10, s15  }
0x18: {  	[tilespmem:s15], [sflag:$0x1] =	stream.indirect_vreg.gather [hbm4b:s2+s10], $0x1, v0, vm0, $0x4038;
	[tilespmem:$0x5000] =	vst v63  }
0x19: {  	_ =	swait.ge [sflag:s5], $0x1400  }
0x1a: {  	s30 =	sshrl.u32 s13, $0x3;
	[sflag:s5] =	ssyncset.done $0x0  }
0x1b: {  	s31 =	sand.u32 $0x7, s13;
	s15 =	sadd.s32 s8, s30;
	[sflag:s5] =	ssyncadd.s32 $0xFFFFEC00  }
0x1c: {  	[hbm4b:s15+s31] =	stream.linear.scatter [tilespmem:s14], [sflag:$0x3], $0x1400, $0x38;
	[tilespmem:$0x5000] =	vst v63  }
.LBB2_5:
0x1d: {  	s15 =	sadd.s32 $0x28000, s11  }
0x1e: {  	p1 =	sgt.s32 s15, $0x31FFF  }
0x1f: {  	s15 =	smov.u32 @p1 s4;
	p1 =	sne.s32 s12, s9  }
.Ltmp1:
0x20: {  	p0 =	slt.u32 s12, $0x2;
	(pc) =	sbr.rel @!p1 .LBB2_6-.Ltmp1, $4  }
0x21: {  	s14 =	simm.s32 @!p0 $0x3  }
0x22: {  	_ =	swait.ge @!p0 [sflag:s14], $0x1400  }
0x23: {  	s16 =	sadd.s32 $0x1, s12;
	s13 =	smov.u32 s11;
	[sflag:s14] =	ssyncset.done @!p0 $0x0  }
0x24: {  	s12 =	smov.u32 s16;
	s11 =	smov.u32 s15;
	[sflag:s14] =	ssyncadd.s32 @!p0 $0xFFFFEC00  }
.LBB2_1:
0x25: {  	p0 =	sge.u32 s12, s7  }
0x26: {  	s14 =	sxor.u32 @!p0 $0x1, s12  }
0x27: {  	s14 =	smul.u32 @!p0 $0x5000, s14  }
0x28: {  	s31 =	sadd.s32 $0xFFFFFFFF, s12;
	s15 =	sshrl.u32 @!p0 s11, $0x3  }
0x29: {  	s16 =	sand.u32 @!p0 $0x7, s11;
	s15 =	sadd.s32 @!p0 s3, s15;
	s14 =	sshra.s32 @!p0 s14, $0x2  }
0x2a: {  	[tilespmem:s14], [sflag:$0x2] =	stream.linear.gather @!p0 [hbm4b:s15+s16], $0x1400, $0x38;
	[tilespmem:$0x5000] =	vst v63  }
0x2b: {  	p0 =	sge.u32 s31, s7  }
.Ltmp2:
0x2c: {  	_ = 	snop;
	(pc) =	sbr.rel @p0 .LBB2_5-.Ltmp2, $1  }
0x2d: {  	_ =	sdelay $0x3  }
0x2e: {  	s14 =	sand.u32 $0x1, s12  }
0x2f: {  	_ =	swait.ge [sflag:s6], $0x1400;
	p0 =	seq.s32 s14, $0x1;
	s14 =	simm.s32 $0x1400  }
0x30: {  	[sflag:s6] =	ssyncset.done $0x0;
	s14 =	simm.s32 @!p0 $0x0  }
0x31: {  	[sflag:s6] =	ssyncadd.s32 $0xFFFFEC00;
	(ifvalue) =	ssetifvalue $0x7FFFFFFF;
	v0 =	vld.msk [tilespmem:s14+$0x0 ss:$0x1], $0xffff;
	_ =	sdelay $0x4  }
0x32: {  	s15 =	sadd.s32 $0x10, s14;
	v1 =	vshrl.u32 v0, $0xA  }
0x33: {  	v2 =	vld.msk [tilespmem:s15+$0x0 ss:$0x1], $0xffff;
	vm1 =	veq.s32 v0, $0x80000000;
	v0 =	vand.u32 $0x3FF, v0;
	v1 =	vand.u32 $0xFF, v1  }
0x34: {  	v0 =	vsel vm1, $0xFFFFFFFF, v0;
	v1 =	vsel vm1, $0xFFFFFFFF, v1  }
0x35: {  	v4 =	vshll.u32 v0, $0x3;
	v3 =	vshll.u32 v1, $0xA  }
0x36: {  	v4 =	vand.u32 $0xFFFFFC00, v4;
	v1 =	vshll.u32 v1, $0x7;
	v3 =	vand.u32 $0xFFFFE000, v3  }
0x37: {  	v0 =	vand.u32 $0x7F, v0;
	v1 =	vand.u32 $0x380, v1;
	v3 =	vadd.s32 v4, v3  }
0x38: {  	vm1 =	veq.s32 v2, $0x80000000;
	v1 =	vor.u32 v1, v3;
	v3 =	vshrl.u32 v2, $0xA  }
0x39: {  	s15 =	sadd.s32 $0x10, s15;
	v2 =	vand.u32 $0x3FF, v2;
	v1 =	vor.u32 v0, v1;
	v3 =	vand.u32 $0xFF, v3  }
0x3a: {  	v0 =	vld.msk [tilespmem:s15+$0x0 ss:$0x1], $0xffff;
	v2 =	vsel vm1, $0xFFFFFFFF, v2;
	v3 =	vsel vm1, $0xFFFFFFFF, v3  }
0x3b: {  	v5 =	vshll.u32 v2, $0x3;
	v63 =	vshll.u32 v3, $0xA  }
0x3c: {  	v5 =	vand.u32 $0xFFFFFC00, v5;
	v3 =	vshll.u32 v3, $0x7;
	v4 =	vand.u32 $0xFFFFE000, v63  }
0x3d: {  	s14 =	sor.u32 $0x2800, s14;
	(ifvalue) =	ssetifvalue $0x7FFFFFFF;
	v3 =	vand.u32 $0x380, v3;
	v4 =	vadd.s32 v5, v4  }
0x3e: {  	[tilespmem:s14], [sflag:$0x1] =	stream.indirect_vreg.gather [hbm4b:s2+s10], $0x1, v1, vm0, $0x4038;
	v1 =	vand.u32 $0x7F, v2;
	v3 =	vor.u32 v3, v4;
	[tilespmem:$0x5000] =	vst v63  }
0x3f: {  	s16 =	simm.s32 $0x20;
	s17 =	sadd.s32 $0x10, s15;
	s15 =	smov.u32 s14;
	v2 =	vshrl.u32 v0, $0xA;
	v1 =	vor.u32 v1, v3  }
.LBB2_3:
0x40: {  	s16 =	sadd.s32 $0x10, s16;
	vm1 =	veq.s32 v0, $0x80000000;
	v3 =	vand.u32 $0x3FF, v0;
	v0 =	vld.msk [tilespmem:s17+$0x0 ss:$0x1], $0xffff;
	v2 =	vand.u32 $0xFF, v2  }
0x41: {  	p0 =	slt.u32 s16, $0x13F0;
	v3 =	vsel vm1, $0xFFFFFFFF, v3;
	v2 =	vsel vm1, $0xFFFFFFFF, v2  }
.Ltmp3:
0x42: {  	v4 =	vshll.u32 v2, $0xA;
	v5 =	vshll.u32 v3, $0x3;
	(pc) =	sbr.rel @p0 .LBB2_3-.Ltmp3, $4  }
0x43: {  	s15 =	sadd.s32 $0x10, s15;
	v2 =	vshll.u32 v2, $0x7;
	v4 =	vand.u32 $0xFFFFE000, v4;
	v5 =	vand.u32 $0xFFFFFC00, v5;
	(ifvalue) =	ssetifvalue $0x7FFFFFFF  }
0x44: {  	v2 =	vand.u32 $0x380, v2;
	v4 =	vadd.s32 v5, v4;
	[tilespmem:s15], [sflag:$0x1] =	stream.indirect_vreg.gather [hbm4b:s2+s10], $0x1, v1, vm0, $0x4038;
	[tilespmem:$0x5000] =	vst v63  }
0x45: {  	v1 =	vand.u32 $0x7F, v3;
	v3 =	vor.u32 v2, v4  }
0x46: {  	s17 =	sadd.s32 $0x10, s17;
	v2 =	vshrl.u32 v0, $0xA;
	v1 =	vor.u32 v1, v3  }
.Ltmp4:
0x47: {  	_ = 	snop;
	(pc) =	sbr.rel .LBB2_4-.Ltmp4, $1  }
0x48: {  	_ =	sdelay $0x3  }
.LBB2_6:
0x49: {  	_ =	sfence.sel $0x180000  }
0x4a: {  	s2 =	simm.s32 $0x2;
	[bflag:$0x0] =	sbarrier.arrive $0xFFFF  }
0x4b: {  	s30 =	simm.s32 $0x3;
	[sflag:s2] =	ssyncpa.u1 $0x1  }
0x4c: {  	s31 =	simm.s32 $0x1;
	[sflag:s30] =	ssyncpa.u1 $0x1  }
0x4d: {  	[sflag:s31] =	ssyncpa.u1 $0x1  }
0x4e: {  	p0 =	sne.s32 s0, $0x0;
	_ =	strace $0x90000047  }
0x4f: {  	s0 =	sadd.s32 @!p0 $0x100000, s1;
	[bflag:$0x2] =	sbarrier.arrive $0xFFFF  }
0x50: {  	[sflag:s0] =	ssyncadd.tile.s32 @!p0 $0x1;
	_ =	shalt  }
.Lfunc_end2:
_tile_overlayer_lowered:
.L_overlay_start_2:
0x51: {  	(tag) =	ssettag $0x2  }
0x52: {  	s0 =	rddreg [dreg:$0x0];
	s2 =	stileid.u32  }
0x53: {  	s1 =	rddreg [dreg:$0x1];
	p0 =	sne.s32 s2, $0x0  }
0x54: {  	s3 =	rddreg [dreg:$0x2];
	[bflag:$0x3] =	sbarrier.arrive $0xFFFF;
	s2 =	simm.s32 @!p0 $0x1C01  }
0x55: {  	[timem:s3], [sflag:s2] =	dma.local @!p0 [hbm:s0], s1  }
0x56: {  	s0 =	simm.s32 @!p0 $0x1  }
0x57: {  	_ =	swait.ge @!p0 [sflag:s0], s1  }
0x58: {  	s1 =	ssub.s32 @!p0 $0x0, s1;
	[sflag:s0] =	ssyncset.done @!p0 $0x0  }
0x59: {  	[sflag:s0] =	ssyncadd.s32 @!p0 s1  }
0x5a: {  	[bflag:$0x3] =	sbarrier.arrive $0xFFFF  }
0x5b: {  	_ =	shalt  }

</sc_bundles>
